<compile_context>
chip_gen: v7x
topology: tpu7x:2x2x1
jax: 0.10.2.dev20260603
libtpu: 0.0.44.dev20260713+nightly
codegen_flags: <defaults>
</compile_context>

<pallas_src>
import functools

import jax
import jax.numpy as jnp
from jax import lax
from jax.experimental import pallas as pl
from jax.experimental.pallas import tpu as pltpu
from jax.experimental.pallas import tpu_sc as plsc

f32 = jnp.float32

N = 10000
D = 256
E = 160000
DH = D // 2

NC, NS, LANES = 2, 16, 16
NW = NC * NS
CH = 128
CPW = -(-E // (NW * CH))
EPAD = NW * CPW * CH
CPT = -(-E // (NS * CH))
EPADC = NS * CPT * CH

NR = -(-(N + 1) // (NS * CH)) * (NS * CH)
PT = NR // NS
ZC = PT // CH

_mesh = plsc.VectorSubcoreMesh(
    core_axis_name="c", subcore_axis_name="s", num_cores=NC, num_subcores=NS)


def _fill(ref, n, value):
  def body(i, _):
    ref[pl.ds(i * 16, 16)] = jnp.full((16,), value, f32)
    return 0
  lax.fori_loop(0, n // 16, body, 0)


@functools.partial(
    pl.kernel,
    out_type=jax.ShapeDtypeStruct((NC * NR,), f32),
    mesh=_mesh,
    scratch_types=[
        pltpu.VMEM((CPW, CH), jnp.int32),
        pltpu.VMEM((CH,), f32),
        pltpu.VMEM((PT,), f32),
        pltpu.VMEM_SHARED((NR,), f32),
    ],
)
def _deg_kernel(dstp_ref, deg_ref, idx_v, ones_v, zbuf, deg_s):
  c = lax.axis_index("c")
  s = lax.axis_index("s")
  wid = c * NS + s
  _fill(zbuf, PT, 0.0)
  _fill(ones_v, CH, 1.0)
  pltpu.sync_copy(zbuf, deg_s.at[pl.ds(s * PT, PT)])
  plsc.subcore_barrier()
  pltpu.sync_copy(dstp_ref.at[wid], idx_v)

  def body(j, _):
    pltpu.sync_copy(ones_v, deg_s.at[idx_v.at[j]], add=True)
    return 0
  lax.fori_loop(0, CPW, body, 0)
  plsc.subcore_barrier()
  pltpu.sync_copy(deg_s.at[pl.ds(s * PT, PT)],
                  deg_ref.at[pl.ds(c * NR + s * PT, PT)])


@functools.partial(
    pl.kernel,
    out_type=jax.ShapeDtypeStruct((NC * NR, DH), f32),
    mesh=_mesh,
    scratch_types=[
        pltpu.VMEM((CPT, CH), jnp.int32),
        pltpu.VMEM((CPT, CH), jnp.int32),
        pltpu.VMEM((CH, DH), f32),
        pltpu.VMEM_SHARED((NR, DH), f32),
    ],
)
def _scatter_kernel(h2_ref, srcp_ref, dstp_ref, s_ref, isrc, idst, rows, acc):
  c = lax.axis_index("c")
  s = lax.axis_index("s")
  wid = c * NS + s
  base = s * PT

  def zrow(r, _):
    for k in range(DH // 16):
      rows[r, pl.ds(k * 16, 16)] = jnp.zeros((16,), f32)
    return 0
  lax.fori_loop(0, CH, zrow, 0)
  for t in range(ZC):
    pltpu.sync_copy(rows, acc.at[pl.ds(base + t * CH, CH)])
  plsc.subcore_barrier()

  pltpu.sync_copy(srcp_ref.at[wid], isrc)
  pltpu.sync_copy(dstp_ref.at[wid], idst)

  def body(j, _):
    pltpu.sync_copy(h2_ref.at[isrc.at[j]], rows)
    pltpu.sync_copy(rows, acc.at[idst.at[j]], add=True)
    return 0
  lax.fori_loop(0, CPT, body, 0)

  plsc.subcore_barrier()
  for t in range(ZC):
    pltpu.sync_copy(acc.at[pl.ds(base + t * CH, CH)],
                    s_ref.at[pl.ds(c * NR + base + t * CH, CH)])


_R = 2000


def _tc_mm(x, w, deg0, deg1):
  def body(x_ref, w_ref, d0_ref, d1_ref, h2_ref, dinv_ref):
    deg = d0_ref[...] + d1_ref[...] + 1.0
    dinv = lax.rsqrt(deg)
    h = jnp.dot(x_ref[...], w_ref[...], preferred_element_type=f32) * dinv
    h2_ref[0] = h[:, :DH]
    h2_ref[1] = h[:, DH:]
    dinv_ref[...] = dinv

  return pl.pallas_call(
      body,
      grid=(N // _R,),
      in_specs=[
          pl.BlockSpec((_R, D), lambda i: (i, 0)),
          pl.BlockSpec((D, D), lambda i: (0, 0)),
          pl.BlockSpec((_R, 1), lambda i: (i, 0)),
          pl.BlockSpec((_R, 1), lambda i: (i, 0)),
      ],
      out_specs=[
          pl.BlockSpec((2, _R, DH), lambda i: (0, i, 0)),
          pl.BlockSpec((_R, 1), lambda i: (i, 0)),
      ],
      out_shape=[
          jax.ShapeDtypeStruct((2, N, DH), f32),
          jax.ShapeDtypeStruct((N, 1), f32),
      ],
  )(x, w, deg0, deg1)


def _tc_out(x, h0, h1, s0, s1, dinv, b):
  inv_sqrt2 = 0.7071067811865476

  def body(x_ref, h0_ref, h1_ref, s0_ref, s1_ref, dinv_ref, b_ref, o_ref):
    dinv = dinv_ref[...]
    z0 = dinv * (s0_ref[...] + h0_ref[...]) + b_ref[:, :DH]
    z1 = dinv * (s1_ref[...] + h1_ref[...]) + b_ref[:, DH:]
    z = jnp.concatenate([z0, z1], axis=1)
    g = 0.5 * z * (1.0 + lax.erf(z * inv_sqrt2))
    o_ref[...] = x_ref[...] + g

  return pl.pallas_call(
      body,
      grid=(N // _R,),
      in_specs=[
          pl.BlockSpec((_R, D), lambda i: (i, 0)),
          pl.BlockSpec((_R, DH), lambda i: (i, 0)),
          pl.BlockSpec((_R, DH), lambda i: (i, 0)),
          pl.BlockSpec((_R, DH), lambda i: (i, 0)),
          pl.BlockSpec((_R, DH), lambda i: (i, 0)),
          pl.BlockSpec((_R, 1), lambda i: (i, 0)),
          pl.BlockSpec((1, D), lambda i: (0, 0)),
      ],
      out_specs=pl.BlockSpec((_R, D), lambda i: (i, 0)),
      out_shape=jax.ShapeDtypeStruct((N, D), f32),
  )(x, h0, h1, s0, s1, dinv, b)


def kernel(x, edge_index, W, b):
  src = edge_index[0]
  dst = edge_index[1]
  pad = EPAD - E
  dstp_deg = jnp.concatenate([dst, jnp.full((pad,), N, jnp.int32)]).reshape(
      NW, CPW, CH)
  padc = EPADC - E
  srcc = jnp.concatenate([src, jnp.zeros((padc,), jnp.int32)]).reshape(
      NS, CPT, CH)
  dstc = jnp.concatenate([dst, jnp.full((padc,), N, jnp.int32)]).reshape(
      NS, CPT, CH)
  srcp = jnp.concatenate([srcc, srcc + N]).reshape(NW, CPT, CH)
  dstp = jnp.concatenate([dstc, dstc]).reshape(NW, CPT, CH)

  deg2 = _deg_kernel(dstp_deg)
  h2, dinv = _tc_mm(x, W, deg2[:N].reshape(N, 1),
                    deg2[NR:NR + N].reshape(N, 1))
  s2 = _scatter_kernel(h2.reshape(2 * N, DH), srcp, dstp)
  return _tc_out(x, h2[0], h2[1], s2[:N], s2[NR:NR + N], dinv,
                 b.reshape(1, D))

# --- scband reference (transcript-rebuilt; emitter-appended) ---
"""Pipeline reference for scband-residual-gconv-7224134992234 (READ-ONLY COPY).

The authoritative reference and input builder live on the scoring server;
editing this copy changes nothing except your own understanding.
"""

import jax, jax.numpy as jnp
import numpy as np

N = 10000
E = 160000
D = 256


def setup_inputs(seed: int = 0) -> dict:
    key = jax.random.key(seed)
    k1, k2, k3 = jax.random.split(key, 3)
    x = jax.random.normal(k1, (N, D), dtype=jnp.float32)
    edge_index = jax.random.randint(k2, (2, E), 0, N, dtype=jnp.int32)
    # GCNConv learned params: lin.weight (no bias in lin) + separate bias added after aggregation
    W = jax.random.normal(k3, (D, D), dtype=jnp.float32) * (1.0 / np.sqrt(D))
    b = jnp.zeros((D,), dtype=jnp.float32)
    return {"x": x, "edge_index": edge_index, "W": W, "b": b}


def _gcn_conv(x, edge_index, W, b):
    # Faithful PyG GCNConv: add self-loops, symmetric normalization D^-1/2 (A+I) D^-1/2,
    # linear transform before propagation, bias added after aggregation.
    n = x.shape[0]
    src = edge_index[0]
    dst = edge_index[1]
    loop = jnp.arange(n, dtype=edge_index.dtype)
    src = jnp.concatenate([src, loop])
    dst = jnp.concatenate([dst, loop])
    deg = jnp.zeros((n,), dtype=x.dtype).at[dst].add(1.0)
    dinv = jnp.where(deg > 0, jax.lax.rsqrt(deg), 0.0)
    norm = dinv[src] * dinv[dst]
    h = x @ W
    msg = norm[:, None] * jnp.take(h, src, axis=0)
    agg = jax.ops.segment_sum(msg, dst, num_segments=n)
    return agg + b


def reference(x, edge_index, W, b):
    res = _gcn_conv(x, edge_index, W, b)
    res = jax.nn.gelu(res, approximate=False)  # torch nn.GELU default is exact erf
    return x + res

if __name__ == "__main__":
    import jax
    _d = setup_inputs()
    print(jax.jit(kernel)(*tuple(_d.values())))

</pallas_src>

<mosaic_0001>
#map = affine_map<(d0, d1) -> (0, 0)>
#map1 = affine_map<(d0, d1) -> (0, 0, 0)>
module attributes {stable_mosaic.version = 14 : i64} {
  func.func @_scatter_kernel(%arg0: i32, %arg1: i32, %arg2: memref<20000x128xf32, #tpu.memory_space<hbm>>, %arg3: memref<32x79x128xi32, #tpu.memory_space<hbm>>, %arg4: memref<32x79x128xi32, #tpu.memory_space<hbm>>, %arg5: memref<20480x128xf32, #tpu.memory_space<hbm>>, %arg6: memref<79x128xi32, #tpu.memory_space<vmem>>, %arg7: memref<79x128xi32, #tpu.memory_space<vmem>>, %arg8: memref<128x128xf32, #tpu.memory_space<vmem>>, %arg9: memref<10240x128xf32, #tpu.memory_space<vmem_shared>>) attributes {dimension_semantics = [#tpu.dimension_semantics<core_parallel>, #tpu.dimension_semantics<subcore_parallel>], iteration_bounds = array<i64: 2, 16>, scalar_prefetch = 0 : i64, scratch_operands = 4 : i64, tpu.core_type = #tpu.core_type<sc_vector_subcore>, window_params = [{transform_indices = #map}, {transform_indices = #map1}, {transform_indices = #map1}, {transform_indices = #map}]} {
    %mul3A = arith.constant 16 : i32
    %mul3A_0 = arith.muli %arg0, %mul3A : i32
    %add3A = arith.addi %mul3A_0, %arg1 : i32
    %mul3A_1 = arith.constant 640 : i32
    %mul3A_2 = arith.muli %arg1, %mul3A_1 : i32
    %scan3A = arith.constant 0 : i32
    %scan3A_3 = arith.constant 0 : i32
    %scan3A_4 = arith.constant 128 : i32
    %scan3A_5 = arith.addi %scan3A_3, %scan3A_4 : i32
    %scan3A_6 = arith.constant 1 : i32
    %scan3A_7 = scf.for %scan3A_62 = %scan3A_3 to %scan3A_5 step %scan3A_6 iter_args(%scan3A_63 = %scan3A) -> (i32)  : i32 {
      %broadcast_in_dim3A = arith.constant 0.000000e+00 : f32
      %broadcast_in_dim3A_64 = vector.broadcast %broadcast_in_dim3A : f32 to vector<16xf32>
      %swap3A = arith.index_cast %scan3A_62 : i32 to index
      %swap3A_65 = arith.constant 0 : index
      %swap3A_66 = tpu.vector_load %arg8[%swap3A, %swap3A_65] {strides = array<i32>} : memref<128x128xf32, #tpu.memory_space<vmem>>, vector<1x16xf32>,
      %swap3A_67 = vector.shape_cast %swap3A_66 : vector<1x16xf32> to vector<16xf32>
      %swap3A_68 = vector.shape_cast %broadcast_in_dim3A_64 : vector<16xf32> to vector<1x16xf32>
      tpu.vector_store %arg8[%swap3A, %swap3A_65], %swap3A_68 {strides = array<i32>} : memref<128x128xf32, #tpu.memory_space<vmem>>, vector<1x16xf32>,
      %broadcast_in_dim3A_69 = arith.constant 0.000000e+00 : f32
      %broadcast_in_dim3A_70 = vector.broadcast %broadcast_in_dim3A_69 : f32 to vector<16xf32>
      %swap3A_71 = arith.index_cast %scan3A_62 : i32 to index
      %swap3A_72 = arith.constant 16 : index
      %swap3A_73 = tpu.vector_load %arg8[%swap3A_71, %swap3A_72] {strides = array<i32>} : memref<128x128xf32, #tpu.memory_space<vmem>>, vector<1x16xf32>,
      %swap3A_74 = vector.shape_cast %swap3A_73 : vector<1x16xf32> to vector<16xf32>
      %swap3A_75 = vector.shape_cast %broadcast_in_dim3A_70 : vector<16xf32> to vector<1x16xf32>
      tpu.vector_store %arg8[%swap3A_71, %swap3A_72], %swap3A_75 {strides = array<i32>} : memref<128x128xf32, #tpu.memory_space<vmem>>, vector<1x16xf32>,
      %broadcast_in_dim3A_76 = arith.constant 0.000000e+00 : f32
      %broadcast_in_dim3A_77 = vector.broadcast %broadcast_in_dim3A_76 : f32 to vector<16xf32>
      %swap3A_78 = arith.index_cast %scan3A_62 : i32 to index
      %swap3A_79 = arith.constant 32 : index
      %swap3A_80 = tpu.vector_load %arg8[%swap3A_78, %swap3A_79] {strides = array<i32>} : memref<128x128xf32, #tpu.memory_space<vmem>>, vector<1x16xf32>,
      %swap3A_81 = vector.shape_cast %swap3A_80 : vector<1x16xf32> to vector<16xf32>
      %swap3A_82 = vector.shape_cast %broadcast_in_dim3A_77 : vector<16xf32> to vector<1x16xf32>
      tpu.vector_store %arg8[%swap3A_78, %swap3A_79], %swap3A_82 {strides = array<i32>} : memref<128x128xf32, #tpu.memory_space<vmem>>, vector<1x16xf32>,
      %broadcast_in_dim3A_83 = arith.constant 0.000000e+00 : f32
      %broadcast_in_dim3A_84 = vector.broadcast %broadcast_in_dim3A_83 : f32 to vector<16xf32>
      %swap3A_85 = arith.index_cast %scan3A_62 : i32 to index
      %swap3A_86 = arith.constant 48 : index
      %swap3A_87 = tpu.vector_load %arg8[%swap3A_85, %swap3A_86] {strides = array<i32>} : memref<128x128xf32, #tpu.memory_space<vmem>>, vector<1x16xf32>,
      %swap3A_88 = vector.shape_cast %swap3A_87 : vector<1x16xf32> to vector<16xf32>
      %swap3A_89 = vector.shape_cast %broadcast_in_dim3A_84 : vector<16xf32> to vector<1x16xf32>
      tpu.vector_store %arg8[%swap3A_85, %swap3A_86], %swap3A_89 {strides = array<i32>} : memref<128x128xf32, #tpu.memory_space<vmem>>, vector<1x16xf32>,
      %broadcast_in_dim3A_90 = arith.constant 0.000000e+00 : f32
      %broadcast_in_dim3A_91 = vector.broadcast %broadcast_in_dim3A_90 : f32 to vector<16xf32>
      %swap3A_92 = arith.index_cast %scan3A_62 : i32 to index
      %swap3A_93 = arith.constant 64 : index
      %swap3A_94 = tpu.vector_load %arg8[%swap3A_92, %swap3A_93] {strides = array<i32>} : memref<128x128xf32, #tpu.memory_space<vmem>>, vector<1x16xf32>,
      %swap3A_95 = vector.shape_cast %swap3A_94 : vector<1x16xf32> to vector<16xf32>
      %swap3A_96 = vector.shape_cast %broadcast_in_dim3A_91 : vector<16xf32> to vector<1x16xf32>
      tpu.vector_store %arg8[%swap3A_92, %swap3A_93], %swap3A_96 {strides = array<i32>} : memref<128x128xf32, #tpu.memory_space<vmem>>, vector<1x16xf32>,
      %broadcast_in_dim3A_97 = arith.constant 0.000000e+00 : f32
      %broadcast_in_dim3A_98 = vector.broadcast %broadcast_in_dim3A_97 : f32 to vector<16xf32>
      %swap3A_99 = arith.index_cast %scan3A_62 : i32 to index
      %swap3A_100 = arith.constant 80 : index
      %swap3A_101 = tpu.vector_load %arg8[%swap3A_99, %swap3A_100] {strides = array<i32>} : memref<128x128xf32, #tpu.memory_space<vmem>>, vector<1x16xf32>,
      %swap3A_102 = vector.shape_cast %swap3A_101 : vector<1x16xf32> to vector<16xf32>
      %swap3A_103 = vector.shape_cast %broadcast_in_dim3A_98 : vector<16xf32> to vector<1x16xf32>
      tpu.vector_store %arg8[%swap3A_99, %swap3A_100], %swap3A_103 {strides = array<i32>} : memref<128x128xf32, #tpu.memory_space<vmem>>, vector<1x16xf32>,
      %broadcast_in_dim3A_104 = arith.constant 0.000000e+00 : f32
      %broadcast_in_dim3A_105 = vector.broadcast %broadcast_in_dim3A_104 : f32 to vector<16xf32>
      %swap3A_106 = arith.index_cast %scan3A_62 : i32 to index
      %swap3A_107 = arith.constant 96 : index
      %swap3A_108 = tpu.vector_load %arg8[%swap3A_106, %swap3A_107] {strides = array<i32>} : memref<128x128xf32, #tpu.memory_space<vmem>>, vector<1x16xf32>,
      %swap3A_109 = vector.shape_cast %swap3A_108 : vector<1x16xf32> to vector<16xf32>
      %swap3A_110 = vector.shape_cast %broadcast_in_dim3A_105 : vector<16xf32> to vector<1x16xf32>
      tpu.vector_store %arg8[%swap3A_106, %swap3A_107], %swap3A_110 {strides = array<i32>} : memref<128x128xf32, #tpu.memory_space<vmem>>, vector<1x16xf32>,
      %broadcast_in_dim3A_111 = arith.constant 0.000000e+00 : f32
      %broadcast_in_dim3A_112 = vector.broadcast %broadcast_in_dim3A_111 : f32 to vector<16xf32>
      %swap3A_113 = arith.index_cast %scan3A_62 : i32 to index
      %swap3A_114 = arith.constant 112 : index
      %swap3A_115 = tpu.vector_load %arg8[%swap3A_113, %swap3A_114] {strides = array<i32>} : memref<128x128xf32, #tpu.memory_space<vmem>>, vector<1x16xf32>,
      %swap3A_116 = vector.shape_cast %swap3A_115 : vector<1x16xf32> to vector<16xf32>
      %swap3A_117 = vector.shape_cast %broadcast_in_dim3A_112 : vector<16xf32> to vector<1x16xf32>
      tpu.vector_store %arg8[%swap3A_113, %swap3A_114], %swap3A_117 {strides = array<i32>} : memref<128x128xf32, #tpu.memory_space<vmem>>, vector<1x16xf32>,
      %scan3A_118 = arith.constant 0 : i32
      scf.yield %scan3A_118 : i32
    }
    %scan3A_8 = arith.constant 128 : i32
    %add3A_9 = arith.constant 0 : i32
    %add3A_10 = arith.addi %mul3A_2, %add3A_9 : i32
    "tpu.region"() ({
      %run_scoped3A = tpu.sem_alloc : memref<!tpu.dma_semaphore, #tpu.memory_space<semaphore_mem>>
      %dma_start3A = arith.constant 0 : i32
      %dma_start3A_62 = tpu.memref_slice %arg9[%add3A_10, %dma_start3A] : memref<10240x128xf32, #tpu.memory_space<vmem_shared>> -> memref<128x128xf32, #tpu.memory_space<vmem_shared>>
      %dma_start3A_63 = arith.constant 0 : i32
      %dma_start3A_64 = tpu.memref_slice %arg9[%add3A_10, %dma_start3A_63] : memref<10240x128xf32, #tpu.memory_space<vmem_shared>> -> memref<128x128xf32, #tpu.memory_space<vmem_shared>>
      tpu.enqueue_dma source(%arg8 : memref<128x128xf32, #tpu.memory_space<vmem>>) target(%dma_start3A_64 : memref<128x128xf32, #tpu.memory_space<vmem_shared>>) target_semaphore(%run_scoped3A : memref<!tpu.dma_semaphore, #tpu.memory_space<semaphore_mem>>)
      %dma_wait3A = arith.constant 0 : i32
      %dma_wait3A_65 = tpu.memref_slice %arg9[%add3A_10, %dma_wait3A] : memref<10240x128xf32, #tpu.memory_space<vmem_shared>> -> memref<128x128xf32, #tpu.memory_space<vmem_shared>>
      %dma_wait3A_66 = arith.constant 0 : i32
      %dma_wait3A_67 = tpu.memref_slice %arg9[%add3A_10, %dma_wait3A_66] : memref<10240x128xf32, #tpu.memory_space<vmem_shared>> -> memref<128x128xf32, #tpu.memory_space<vmem_shared>>
      tpu.wait_dma2 semaphore(%run_scoped3A : memref<!tpu.dma_semaphore, #tpu.memory_space<semaphore_mem>>) src(%arg8 : memref<128x128xf32, #tpu.memory_space<vmem>>) dst(%dma_wait3A_67 : memref<128x128xf32, #tpu.memory_space<vmem_shared>>)
      tpu.yield
    }) : () -> ()
    %add3A_11 = arith.constant 128 : i32
    %add3A_12 = arith.addi %mul3A_2, %add3A_11 : i32
    "tpu.region"() ({
      %run_scoped3A = tpu.sem_alloc : memref<!tpu.dma_semaphore, #tpu.memory_space<semaphore_mem>>
      %dma_start3A = arith.constant 0 : i32
      %dma_start3A_62 = tpu.memref_slice %arg9[%add3A_12, %dma_start3A] : memref<10240x128xf32, #tpu.memory_space<vmem_shared>> -> memref<128x128xf32, #tpu.memory_space<vmem_shared>>
      %dma_start3A_63 = arith.constant 0 : i32
      %dma_start3A_64 = tpu.memref_slice %arg9[%add3A_12, %dma_start3A_63] : memref<10240x128xf32, #tpu.memory_space<vmem_shared>> -> memref<128x128xf32, #tpu.memory_space<vmem_shared>>
      tpu.enqueue_dma source(%arg8 : memref<128x128xf32, #tpu.memory_space<vmem>>) target(%dma_start3A_64 : memref<128x128xf32, #tpu.memory_space<vmem_shared>>) target_semaphore(%run_scoped3A : memref<!tpu.dma_semaphore, #tpu.memory_space<semaphore_mem>>)
      %dma_wait3A = arith.constant 0 : i32
      %dma_wait3A_65 = tpu.memref_slice %arg9[%add3A_12, %dma_wait3A] : memref<10240x128xf32, #tpu.memory_space<vmem_shared>> -> memref<128x128xf32, #tpu.memory_space<vmem_shared>>
      %dma_wait3A_66 = arith.constant 0 : i32
      %dma_wait3A_67 = tpu.memref_slice %arg9[%add3A_12, %dma_wait3A_66] : memref<10240x128xf32, #tpu.memory_space<vmem_shared>> -> memref<128x128xf32, #tpu.memory_space<vmem_shared>>
      tpu.wait_dma2 semaphore(%run_scoped3A : memref<!tpu.dma_semaphore, #tpu.memory_space<semaphore_mem>>) src(%arg8 : memref<128x128xf32, #tpu.memory_space<vmem>>) dst(%dma_wait3A_67 : memref<128x128xf32, #tpu.memory_space<vmem_shared>>)
      tpu.yield
    }) : () -> ()
    %add3A_13 = arith.constant 256 : i32
    %add3A_14 = arith.addi %mul3A_2, %add3A_13 : i32
    "tpu.region"() ({
      %run_scoped3A = tpu.sem_alloc : memref<!tpu.dma_semaphore, #tpu.memory_space<semaphore_mem>>
      %dma_start3A = arith.constant 0 : i32
      %dma_start3A_62 = tpu.memref_slice %arg9[%add3A_14, %dma_start3A] : memref<10240x128xf32, #tpu.memory_space<vmem_shared>> -> memref<128x128xf32, #tpu.memory_space<vmem_shared>>
      %dma_start3A_63 = arith.constant 0 : i32
      %dma_start3A_64 = tpu.memref_slice %arg9[%add3A_14, %dma_start3A_63] : memref<10240x128xf32, #tpu.memory_space<vmem_shared>> -> memref<128x128xf32, #tpu.memory_space<vmem_shared>>
      tpu.enqueue_dma source(%arg8 : memref<128x128xf32, #tpu.memory_space<vmem>>) target(%dma_start3A_64 : memref<128x128xf32, #tpu.memory_space<vmem_shared>>) target_semaphore(%run_scoped3A : memref<!tpu.dma_semaphore, #tpu.memory_space<semaphore_mem>>)
      %dma_wait3A = arith.constant 0 : i32
      %dma_wait3A_65 = tpu.memref_slice %arg9[%add3A_14, %dma_wait3A] : memref<10240x128xf32, #tpu.memory_space<vmem_shared>> -> memref<128x128xf32, #tpu.memory_space<vmem_shared>>
      %dma_wait3A_66 = arith.constant 0 : i32
      %dma_wait3A_67 = tpu.memref_slice %arg9[%add3A_14, %dma_wait3A_66] : memref<10240x128xf32, #tpu.memory_space<vmem_shared>> -> memref<128x128xf32, #tpu.memory_space<vmem_shared>>
      tpu.wait_dma2 semaphore(%run_scoped3A : memref<!tpu.dma_semaphore, #tpu.memory_space<semaphore_mem>>) src(%arg8 : memref<128x128xf32, #tpu.memory_space<vmem>>) dst(%dma_wait3A_67 : memref<128x128xf32, #tpu.memory_space<vmem_shared>>)
      tpu.yield
    }) : () -> ()
    %add3A_15 = arith.constant 384 : i32
    %add3A_16 = arith.addi %mul3A_2, %add3A_15 : i32
    "tpu.region"() ({
      %run_scoped3A = tpu.sem_alloc : memref<!tpu.dma_semaphore, #tpu.memory_space<semaphore_mem>>
      %dma_start3A = arith.constant 0 : i32
      %dma_start3A_62 = tpu.memref_slice %arg9[%add3A_16, %dma_start3A] : memref<10240x128xf32, #tpu.memory_space<vmem_shared>> -> memref<128x128xf32, #tpu.memory_space<vmem_shared>>
      %dma_start3A_63 = arith.constant 0 : i32
      %dma_start3A_64 = tpu.memref_slice %arg9[%add3A_16, %dma_start3A_63] : memref<10240x128xf32, #tpu.memory_space<vmem_shared>> -> memref<128x128xf32, #tpu.memory_space<vmem_shared>>
      tpu.enqueue_dma source(%arg8 : memref<128x128xf32, #tpu.memory_space<vmem>>) target(%dma_start3A_64 : memref<128x128xf32, #tpu.memory_space<vmem_shared>>) target_semaphore(%run_scoped3A : memref<!tpu.dma_semaphore, #tpu.memory_space<semaphore_mem>>)
      %dma_wait3A = arith.constant 0 : i32
      %dma_wait3A_65 = tpu.memref_slice %arg9[%add3A_16, %dma_wait3A] : memref<10240x128xf32, #tpu.memory_space<vmem_shared>> -> memref<128x128xf32, #tpu.memory_space<vmem_shared>>
      %dma_wait3A_66 = arith.constant 0 : i32
      %dma_wait3A_67 = tpu.memref_slice %arg9[%add3A_16, %dma_wait3A_66] : memref<10240x128xf32, #tpu.memory_space<vmem_shared>> -> memref<128x128xf32, #tpu.memory_space<vmem_shared>>
      tpu.wait_dma2 semaphore(%run_scoped3A : memref<!tpu.dma_semaphore, #tpu.memory_space<semaphore_mem>>) src(%arg8 : memref<128x128xf32, #tpu.memory_space<vmem>>) dst(%dma_wait3A_67 : memref<128x128xf32, #tpu.memory_space<vmem_shared>>)
      tpu.yield
    }) : () -> ()
    %add3A_17 = arith.constant 512 : i32
    %add3A_18 = arith.addi %mul3A_2, %add3A_17 : i32
    "tpu.region"() ({
      %run_scoped3A = tpu.sem_alloc : memref<!tpu.dma_semaphore, #tpu.memory_space<semaphore_mem>>
      %dma_start3A = arith.constant 0 : i32
      %dma_start3A_62 = tpu.memref_slice %arg9[%add3A_18, %dma_start3A] : memref<10240x128xf32, #tpu.memory_space<vmem_shared>> -> memref<128x128xf32, #tpu.memory_space<vmem_shared>>
      %dma_start3A_63 = arith.constant 0 : i32
      %dma_start3A_64 = tpu.memref_slice %arg9[%add3A_18, %dma_start3A_63] : memref<10240x128xf32, #tpu.memory_space<vmem_shared>> -> memref<128x128xf32, #tpu.memory_space<vmem_shared>>
      tpu.enqueue_dma source(%arg8 : memref<128x128xf32, #tpu.memory_space<vmem>>) target(%dma_start3A_64 : memref<128x128xf32, #tpu.memory_space<vmem_shared>>) target_semaphore(%run_scoped3A : memref<!tpu.dma_semaphore, #tpu.memory_space<semaphore_mem>>)
      %dma_wait3A = arith.constant 0 : i32
      %dma_wait3A_65 = tpu.memref_slice %arg9[%add3A_18, %dma_wait3A] : memref<10240x128xf32, #tpu.memory_space<vmem_shared>> -> memref<128x128xf32, #tpu.memory_space<vmem_shared>>
      %dma_wait3A_66 = arith.constant 0 : i32
      %dma_wait3A_67 = tpu.memref_slice %arg9[%add3A_18, %dma_wait3A_66] : memref<10240x128xf32, #tpu.memory_space<vmem_shared>> -> memref<128x128xf32, #tpu.memory_space<vmem_shared>>
      tpu.wait_dma2 semaphore(%run_scoped3A : memref<!tpu.dma_semaphore, #tpu.memory_space<semaphore_mem>>) src(%arg8 : memref<128x128xf32, #tpu.memory_space<vmem>>) dst(%dma_wait3A_67 : memref<128x128xf32, #tpu.memory_space<vmem_shared>>)
      tpu.yield
    }) : () -> ()
    %barrier3A = arith.constant 0 : index
    tpu.barrier barrier_id(%barrier3A)
    "tpu.region"() ({
      %run_scoped3A = tpu.sem_alloc : memref<!tpu.dma_semaphore, #tpu.memory_space<semaphore_mem>>
      %dma_start3A = arith.constant 0 : i32
      %dma_start3A_62 = arith.constant 0 : i32
      %dma_start3A_63 = tpu.memref_slice %arg3[%add3A, %dma_start3A, %dma_start3A_62] : memref<32x79x128xi32, #tpu.memory_space<hbm>> -> memref<1x79x128xi32, #tpu.memory_space<hbm>>
      %dma_start3A_64 = tpu.memref_squeeze %dma_start3A_63 : memref<1x79x128xi32, #tpu.memory_space<hbm>> -> memref<79x128xi32, #tpu.memory_space<hbm>>
      %dma_start3A_65 = arith.constant 0 : i32
      %dma_start3A_66 = arith.constant 0 : i32
      %dma_start3A_67 = tpu.memref_slice %arg3[%add3A, %dma_start3A_65, %dma_start3A_66] : memref<32x79x128xi32, #tpu.memory_space<hbm>> -> memref<1x79x128xi32, #tpu.memory_space<hbm>>
      %dma_start3A_68 = tpu.memref_squeeze %dma_start3A_67 : memref<1x79x128xi32, #tpu.memory_space<hbm>> -> memref<79x128xi32, #tpu.memory_space<hbm>>
      tpu.enqueue_dma source(%dma_start3A_68 : memref<79x128xi32, #tpu.memory_space<hbm>>) target(%arg6 : memref<79x128xi32, #tpu.memory_space<vmem>>) target_semaphore(%run_scoped3A : memref<!tpu.dma_semaphore, #tpu.memory_space<semaphore_mem>>)
      %dma_wait3A = arith.constant 0 : i32
      %dma_wait3A_69 = arith.constant 0 : i32
      %dma_wait3A_70 = tpu.memref_slice %arg3[%add3A, %dma_wait3A, %dma_wait3A_69] : memref<32x79x128xi32, #tpu.memory_space<hbm>> -> memref<1x79x128xi32, #tpu.memory_space<hbm>>
      %dma_wait3A_71 = tpu.memref_squeeze %dma_wait3A_70 : memref<1x79x128xi32, #tpu.memory_space<hbm>> -> memref<79x128xi32, #tpu.memory_space<hbm>>
      %dma_wait3A_72 = arith.constant 0 : i32
      %dma_wait3A_73 = arith.constant 0 : i32
      %dma_wait3A_74 = tpu.memref_slice %arg3[%add3A, %dma_wait3A_72, %dma_wait3A_73] : memref<32x79x128xi32, #tpu.memory_space<hbm>> -> memref<1x79x128xi32, #tpu.memory_space<hbm>>
      %dma_wait3A_75 = tpu.memref_squeeze %dma_wait3A_74 : memref<1x79x128xi32, #tpu.memory_space<hbm>> -> memref<79x128xi32, #tpu.memory_space<hbm>>
      tpu.wait_dma2 semaphore(%run_scoped3A : memref<!tpu.dma_semaphore, #tpu.memory_space<semaphore_mem>>) src(%dma_wait3A_75 : memref<79x128xi32, #tpu.memory_space<hbm>>) dst(%arg6 : memref<79x128xi32, #tpu.memory_space<vmem>>)
      tpu.yield
    }) : () -> ()
    "tpu.region"() ({
      %run_scoped3A = tpu.sem_alloc : memref<!tpu.dma_semaphore, #tpu.memory_space<semaphore_mem>>
      %dma_start3A = arith.constant 0 : i32
      %dma_start3A_62 = arith.constant 0 : i32
      %dma_start3A_63 = tpu.memref_slice %arg4[%add3A, %dma_start3A, %dma_start3A_62] : memref<32x79x128xi32, #tpu.memory_space<hbm>> -> memref<1x79x128xi32, #tpu.memory_space<hbm>>
      %dma_start3A_64 = tpu.memref_squeeze %dma_start3A_63 : memref<1x79x128xi32, #tpu.memory_space<hbm>> -> memref<79x128xi32, #tpu.memory_space<hbm>>
      %dma_start3A_65 = arith.constant 0 : i32
      %dma_start3A_66 = arith.constant 0 : i32
      %dma_start3A_67 = tpu.memref_slice %arg4[%add3A, %dma_start3A_65, %dma_start3A_66] : memref<32x79x128xi32, #tpu.memory_space<hbm>> -> memref<1x79x128xi32, #tpu.memory_space<hbm>>
      %dma_start3A_68 = tpu.memref_squeeze %dma_start3A_67 : memref<1x79x128xi32, #tpu.memory_space<hbm>> -> memref<79x128xi32, #tpu.memory_space<hbm>>
      tpu.enqueue_dma source(%dma_start3A_68 : memref<79x128xi32, #tpu.memory_space<hbm>>) target(%arg7 : memref<79x128xi32, #tpu.memory_space<vmem>>) target_semaphore(%run_scoped3A : memref<!tpu.dma_semaphore, #tpu.memory_space<semaphore_mem>>)
      %dma_wait3A = arith.constant 0 : i32
      %dma_wait3A_69 = arith.constant 0 : i32
      %dma_wait3A_70 = tpu.memref_slice %arg4[%add3A, %dma_wait3A, %dma_wait3A_69] : memref<32x79x128xi32, #tpu.memory_space<hbm>> -> memref<1x79x128xi32, #tpu.memory_space<hbm>>
      %dma_wait3A_71 = tpu.memref_squeeze %dma_wait3A_70 : memref<1x79x128xi32, #tpu.memory_space<hbm>> -> memref<79x128xi32, #tpu.memory_space<hbm>>
      %dma_wait3A_72 = arith.constant 0 : i32
      %dma_wait3A_73 = arith.constant 0 : i32
      %dma_wait3A_74 = tpu.memref_slice %arg4[%add3A, %dma_wait3A_72, %dma_wait3A_73] : memref<32x79x128xi32, #tpu.memory_space<hbm>> -> memref<1x79x128xi32, #tpu.memory_space<hbm>>
      %dma_wait3A_75 = tpu.memref_squeeze %dma_wait3A_74 : memref<1x79x128xi32, #tpu.memory_space<hbm>> -> memref<79x128xi32, #tpu.memory_space<hbm>>
      tpu.wait_dma2 semaphore(%run_scoped3A : memref<!tpu.dma_semaphore, #tpu.memory_space<semaphore_mem>>) src(%dma_wait3A_75 : memref<79x128xi32, #tpu.memory_space<hbm>>) dst(%arg7 : memref<79x128xi32, #tpu.memory_space<vmem>>)
      tpu.yield
    }) : () -> ()
    %scan3A_19 = arith.constant 0 : i32
    %scan3A_20 = arith.constant 0 : i32
    %scan3A_21 = arith.constant 79 : i32
    %scan3A_22 = arith.addi %scan3A_20, %scan3A_21 : i32
    %scan3A_23 = arith.constant 1 : i32
    %scan3A_24 = scf.for %scan3A_62 = %scan3A_20 to %scan3A_22 step %scan3A_23 iter_args(%scan3A_63 = %scan3A_19) -> (i32)  : i32 {
      "tpu.region"() ({
        %run_scoped3A = tpu.sem_alloc : memref<!tpu.dma_semaphore, #tpu.memory_space<semaphore_mem>>
        %dma_start3A = arith.constant 0 : i32
        %dma_start3A_65 = tpu.memref_slice %arg6[%scan3A_62, %dma_start3A] : memref<79x128xi32, #tpu.memory_space<vmem>> -> memref<1x128xi32, #tpu.memory_space<vmem>>
        %dma_start3A_66 = tpu.memref_squeeze %dma_start3A_65 : memref<1x128xi32, #tpu.memory_space<vmem>> -> memref<128xi32, #tpu.memory_space<vmem>>
        %dma_start3A_67 = arith.constant 0 : i32
        %dma_start3A_68 = arith.constant 0 : i32
        %dma_start3A_69 = tpu.memref_slice %arg2[%dma_start3A_67, %dma_start3A_68] : memref<20000x128xf32, #tpu.memory_space<hbm>> -> memref<20000x128xf32, #tpu.memory_space<hbm>>
        tpu.enqueue_indirect_dma source(%dma_start3A_69 : memref<20000x128xf32, #tpu.memory_space<hbm>>) target(%arg8 : memref<128x128xf32, #tpu.memory_space<vmem>>) offsets(%dma_start3A_66 : memref<128xi32, #tpu.memory_space<vmem>>) semaphore(%run_scoped3A : memref<!tpu.dma_semaphore, #tpu.memory_space<semaphore_mem>>)
        %dma_wait3A = arith.constant 0 : i32
        %dma_wait3A_70 = tpu.memref_slice %arg6[%scan3A_62, %dma_wait3A] : memref<79x128xi32, #tpu.memory_space<vmem>> -> memref<1x128xi32, #tpu.memory_space<vmem>>
        %dma_wait3A_71 = tpu.memref_squeeze %dma_wait3A_70 : memref<1x128xi32, #tpu.memory_space<vmem>> -> memref<128xi32, #tpu.memory_space<vmem>>
        %dma_wait3A_72 = arith.constant 0 : i32
        %dma_wait3A_73 = arith.constant 0 : i32
        %dma_wait3A_74 = tpu.memref_slice %arg2[%dma_wait3A_72, %dma_wait3A_73] : memref<20000x128xf32, #tpu.memory_space<hbm>> -> memref<20000x128xf32, #tpu.memory_space<hbm>>
        tpu.wait_indirect_dma semaphore(%run_scoped3A : memref<!tpu.dma_semaphore, #tpu.memory_space<semaphore_mem>>) src(%dma_wait3A_74 : memref<20000x128xf32, #tpu.memory_space<hbm>>) dst(%arg8 : memref<128x128xf32, #tpu.memory_space<vmem>>)
        tpu.yield
      }) : () -> ()
      "tpu.region"() ({
        %run_scoped3A = tpu.sem_alloc : memref<!tpu.dma_semaphore, #tpu.memory_space<semaphore_mem>>
        %dma_start3A = arith.constant 0 : i32
        %dma_start3A_65 = tpu.memref_slice %arg7[%scan3A_62, %dma_start3A] : memref<79x128xi32, #tpu.memory_space<vmem>> -> memref<1x128xi32, #tpu.memory_space<vmem>>
        %dma_start3A_66 = tpu.memref_squeeze %dma_start3A_65 : memref<1x128xi32, #tpu.memory_space<vmem>> -> memref<128xi32, #tpu.memory_space<vmem>>
        %dma_start3A_67 = arith.constant 0 : i32
        %dma_start3A_68 = arith.constant 0 : i32
        %dma_start3A_69 = tpu.memref_slice %arg9[%dma_start3A_67, %dma_start3A_68] : memref<10240x128xf32, #tpu.memory_space<vmem_shared>> -> memref<10240x128xf32, #tpu.memory_space<vmem_shared>>
        tpu.enqueue_indirect_dma source(%arg8 : memref<128x128xf32, #tpu.memory_space<vmem>>) target(%dma_start3A_69 : memref<10240x128xf32, #tpu.memory_space<vmem_shared>>) offsets(%dma_start3A_66 : memref<128xi32, #tpu.memory_space<vmem>>) semaphore(%run_scoped3A : memref<!tpu.dma_semaphore, #tpu.memory_space<semaphore_mem>>) {add = true}
        %dma_wait3A = arith.constant 0 : i32
        %dma_wait3A_70 = tpu.memref_slice %arg7[%scan3A_62, %dma_wait3A] : memref<79x128xi32, #tpu.memory_space<vmem>> -> memref<1x128xi32, #tpu.memory_space<vmem>>
        %dma_wait3A_71 = tpu.memref_squeeze %dma_wait3A_70 : memref<1x128xi32, #tpu.memory_space<vmem>> -> memref<128xi32, #tpu.memory_space<vmem>>
        %dma_wait3A_72 = arith.constant 0 : i32
        %dma_wait3A_73 = arith.constant 0 : i32
        %dma_wait3A_74 = tpu.memref_slice %arg9[%dma_wait3A_72, %dma_wait3A_73] : memref<10240x128xf32, #tpu.memory_space<vmem_shared>> -> memref<10240x128xf32, #tpu.memory_space<vmem_shared>>
        tpu.wait_indirect_dma semaphore(%run_scoped3A : memref<!tpu.dma_semaphore, #tpu.memory_space<semaphore_mem>>) src(%arg8 : memref<128x128xf32, #tpu.memory_space<vmem>>) dst(%dma_wait3A_74 : memref<10240x128xf32, #tpu.memory_space<vmem_shared>>)
        tpu.yield
      }) : () -> ()
      %scan3A_64 = arith.constant 0 : i32
      scf.yield %scan3A_64 : i32
    }
    %scan3A_25 = arith.constant 79 : i32
    %barrier3A_26 = arith.constant 0 : index
    tpu.barrier barrier_id(%barrier3A_26)
    %add3A_27 = arith.constant 0 : i32
    %add3A_28 = arith.addi %mul3A_2, %add3A_27 : i32
    %mul3A_29 = arith.constant 10240 : i32
    %mul3A_30 = arith.muli %arg0, %mul3A_29 : i32
    %add3A_31 = arith.addi %mul3A_30, %mul3A_2 : i32
    %add3A_32 = arith.constant 0 : i32
    %add3A_33 = arith.addi %add3A_31, %add3A_32 : i32
    "tpu.region"() ({
      %run_scoped3A = tpu.sem_alloc : memref<!tpu.dma_semaphore, #tpu.memory_space<semaphore_mem>>
      %dma_start3A = arith.constant 0 : i32
      %dma_start3A_62 = tpu.memref_slice %arg5[%add3A_33, %dma_start3A] : memref<20480x128xf32, #tpu.memory_space<hbm>> -> memref<128x128xf32, #tpu.memory_space<hbm>>
      %dma_start3A_63 = arith.constant 0 : i32
      %dma_start3A_64 = tpu.memref_slice %arg9[%add3A_28, %dma_start3A_63] : memref<10240x128xf32, #tpu.memory_space<vmem_shared>> -> memref<128x128xf32, #tpu.memory_space<vmem_shared>>
      tpu.enqueue_dma source(%dma_start3A_64 : memref<128x128xf32, #tpu.memory_space<vmem_shared>>) target(%dma_start3A_62 : memref<128x128xf32, #tpu.memory_space<hbm>>) target_semaphore(%run_scoped3A : memref<!tpu.dma_semaphore, #tpu.memory_space<semaphore_mem>>)
      %dma_wait3A = arith.constant 0 : i32
      %dma_wait3A_65 = tpu.memref_slice %arg5[%add3A_33, %dma_wait3A] : memref<20480x128xf32, #tpu.memory_space<hbm>> -> memref<128x128xf32, #tpu.memory_space<hbm>>
      %dma_wait3A_66 = arith.constant 0 : i32
      %dma_wait3A_67 = tpu.memref_slice %arg9[%add3A_28, %dma_wait3A_66] : memref<10240x128xf32, #tpu.memory_space<vmem_shared>> -> memref<128x128xf32, #tpu.memory_space<vmem_shared>>
      tpu.wait_dma2 semaphore(%run_scoped3A : memref<!tpu.dma_semaphore, #tpu.memory_space<semaphore_mem>>) src(%dma_wait3A_67 : memref<128x128xf32, #tpu.memory_space<vmem_shared>>) dst(%dma_wait3A_65 : memref<128x128xf32, #tpu.memory_space<hbm>>)
      tpu.yield
    }) : () -> ()
    %add3A_34 = arith.constant 128 : i32
    %add3A_35 = arith.addi %mul3A_2, %add3A_34 : i32
    %mul3A_36 = arith.constant 10240 : i32
    %mul3A_37 = arith.muli %arg0, %mul3A_36 : i32
    %add3A_38 = arith.addi %mul3A_37, %mul3A_2 : i32
    %add3A_39 = arith.constant 128 : i32
    %add3A_40 = arith.addi %add3A_38, %add3A_39 : i32
    "tpu.region"() ({
      %run_scoped3A = tpu.sem_alloc : memref<!tpu.dma_semaphore, #tpu.memory_space<semaphore_mem>>
      %dma_start3A = arith.constant 0 : i32
      %dma_start3A_62 = tpu.memref_slice %arg5[%add3A_40, %dma_start3A] : memref<20480x128xf32, #tpu.memory_space<hbm>> -> memref<128x128xf32, #tpu.memory_space<hbm>>
      %dma_start3A_63 = arith.constant 0 : i32
      %dma_start3A_64 = tpu.memref_slice %arg9[%add3A_35, %dma_start3A_63] : memref<10240x128xf32, #tpu.memory_space<vmem_shared>> -> memref<128x128xf32, #tpu.memory_space<vmem_shared>>
      tpu.enqueue_dma source(%dma_start3A_64 : memref<128x128xf32, #tpu.memory_space<vmem_shared>>) target(%dma_start3A_62 : memref<128x128xf32, #tpu.memory_space<hbm>>) target_semaphore(%run_scoped3A : memref<!tpu.dma_semaphore, #tpu.memory_space<semaphore_mem>>)
      %dma_wait3A = arith.constant 0 : i32
      %dma_wait3A_65 = tpu.memref_slice %arg5[%add3A_40, %dma_wait3A] : memref<20480x128xf32, #tpu.memory_space<hbm>> -> memref<128x128xf32, #tpu.memory_space<hbm>>
      %dma_wait3A_66 = arith.constant 0 : i32
      %dma_wait3A_67 = tpu.memref_slice %arg9[%add3A_35, %dma_wait3A_66] : memref<10240x128xf32, #tpu.memory_space<vmem_shared>> -> memref<128x128xf32, #tpu.memory_space<vmem_shared>>
      tpu.wait_dma2 semaphore(%run_scoped3A : memref<!tpu.dma_semaphore, #tpu.memory_space<semaphore_mem>>) src(%dma_wait3A_67 : memref<128x128xf32, #tpu.memory_space<vmem_shared>>) dst(%dma_wait3A_65 : memref<128x128xf32, #tpu.memory_space<hbm>>)
      tpu.yield
    }) : () -> ()
    %add3A_41 = arith.constant 256 : i32
    %add3A_42 = arith.addi %mul3A_2, %add3A_41 : i32
    %mul3A_43 = arith.constant 10240 : i32
    %mul3A_44 = arith.muli %arg0, %mul3A_43 : i32
    %add3A_45 = arith.addi %mul3A_44, %mul3A_2 : i32
    %add3A_46 = arith.constant 256 : i32
    %add3A_47 = arith.addi %add3A_45, %add3A_46 : i32
    "tpu.region"() ({
      %run_scoped3A = tpu.sem_alloc : memref<!tpu.dma_semaphore, #tpu.memory_space<semaphore_mem>>
      %dma_start3A = arith.constant 0 : i32
      %dma_start3A_62 = tpu.memref_slice %arg5[%add3A_47, %dma_start3A] : memref<20480x128xf32, #tpu.memory_space<hbm>> -> memref<128x128xf32, #tpu.memory_space<hbm>>
      %dma_start3A_63 = arith.constant 0 : i32
      %dma_start3A_64 = tpu.memref_slice %arg9[%add3A_42, %dma_start3A_63] : memref<10240x128xf32, #tpu.memory_space<vmem_shared>> -> memref<128x128xf32, #tpu.memory_space<vmem_shared>>
      tpu.enqueue_dma source(%dma_start3A_64 : memref<128x128xf32, #tpu.memory_space<vmem_shared>>) target(%dma_start3A_62 : memref<128x128xf32, #tpu.memory_space<hbm>>) target_semaphore(%run_scoped3A : memref<!tpu.dma_semaphore, #tpu.memory_space<semaphore_mem>>)
      %dma_wait3A = arith.constant 0 : i32
      %dma_wait3A_65 = tpu.memref_slice %arg5[%add3A_47, %dma_wait3A] : memref<20480x128xf32, #tpu.memory_space<hbm>> -> memref<128x128xf32, #tpu.memory_space<hbm>>
      %dma_wait3A_66 = arith.constant 0 : i32
      %dma_wait3A_67 = tpu.memref_slice %arg9[%add3A_42, %dma_wait3A_66] : memref<10240x128xf32, #tpu.memory_space<vmem_shared>> -> memref<128x128xf32, #tpu.memory_space<vmem_shared>>
      tpu.wait_dma2 semaphore(%run_scoped3A : memref<!tpu.dma_semaphore, #tpu.memory_space<semaphore_mem>>) src(%dma_wait3A_67 : memref<128x128xf32, #tpu.memory_space<vmem_shared>>) dst(%dma_wait3A_65 : memref<128x128xf32, #tpu.memory_space<hbm>>)
      tpu.yield
    }) : () -> ()
    %add3A_48 = arith.constant 384 : i32
    %add3A_49 = arith.addi %mul3A_2, %add3A_48 : i32
    %mul3A_50 = arith.constant 10240 : i32
    %mul3A_51 = arith.muli %arg0, %mul3A_50 : i32
    %add3A_52 = arith.addi %mul3A_51, %mul3A_2 : i32
    %add3A_53 = arith.constant 384 : i32
    %add3A_54 = arith.addi %add3A_52, %add3A_53 : i32
    "tpu.region"() ({
      %run_scoped3A = tpu.sem_alloc : memref<!tpu.dma_semaphore, #tpu.memory_space<semaphore_mem>>
      %dma_start3A = arith.constant 0 : i32
      %dma_start3A_62 = tpu.memref_slice %arg5[%add3A_54, %dma_start3A] : memref<20480x128xf32, #tpu.memory_space<hbm>> -> memref<128x128xf32, #tpu.memory_space<hbm>>
      %dma_start3A_63 = arith.constant 0 : i32
      %dma_start3A_64 = tpu.memref_slice %arg9[%add3A_49, %dma_start3A_63] : memref<10240x128xf32, #tpu.memory_space<vmem_shared>> -> memref<128x128xf32, #tpu.memory_space<vmem_shared>>
      tpu.enqueue_dma source(%dma_start3A_64 : memref<128x128xf32, #tpu.memory_space<vmem_shared>>) target(%dma_start3A_62 : memref<128x128xf32, #tpu.memory_space<hbm>>) target_semaphore(%run_scoped3A : memref<!tpu.dma_semaphore, #tpu.memory_space<semaphore_mem>>)
      %dma_wait3A = arith.constant 0 : i32
      %dma_wait3A_65 = tpu.memref_slice %arg5[%add3A_54, %dma_wait3A] : memref<20480x128xf32, #tpu.memory_space<hbm>> -> memref<128x128xf32, #tpu.memory_space<hbm>>
      %dma_wait3A_66 = arith.constant 0 : i32
      %dma_wait3A_67 = tpu.memref_slice %arg9[%add3A_49, %dma_wait3A_66] : memref<10240x128xf32, #tpu.memory_space<vmem_shared>> -> memref<128x128xf32, #tpu.memory_space<vmem_shared>>
      tpu.wait_dma2 semaphore(%run_scoped3A : memref<!tpu.dma_semaphore, #tpu.memory_space<semaphore_mem>>) src(%dma_wait3A_67 : memref<128x128xf32, #tpu.memory_space<vmem_shared>>) dst(%dma_wait3A_65 : memref<128x128xf32, #tpu.memory_space<hbm>>)
      tpu.yield
    }) : () -> ()
    %add3A_55 = arith.constant 512 : i32
    %add3A_56 = arith.addi %mul3A_2, %add3A_55 : i32
    %mul3A_57 = arith.constant 10240 : i32
    %mul3A_58 = arith.muli %arg0, %mul3A_57 : i32
    %add3A_59 = arith.addi %mul3A_58, %mul3A_2 : i32
    %add3A_60 = arith.constant 512 : i32
    %add3A_61 = arith.addi %add3A_59, %add3A_60 : i32
    "tpu.region"() ({
      %run_scoped3A = tpu.sem_alloc : memref<!tpu.dma_semaphore, #tpu.memory_space<semaphore_mem>>
      %dma_start3A = arith.constant 0 : i32
      %dma_start3A_62 = tpu.memref_slice %arg5[%add3A_61, %dma_start3A] : memref<20480x128xf32, #tpu.memory_space<hbm>> -> memref<128x128xf32, #tpu.memory_space<hbm>>
      %dma_start3A_63 = arith.constant 0 : i32
      %dma_start3A_64 = tpu.memref_slice %arg9[%add3A_56, %dma_start3A_63] : memref<10240x128xf32, #tpu.memory_space<vmem_shared>> -> memref<128x128xf32, #tpu.memory_space<vmem_shared>>
      tpu.enqueue_dma source(%dma_start3A_64 : memref<128x128xf32, #tpu.memory_space<vmem_shared>>) target(%dma_start3A_62 : memref<128x128xf32, #tpu.memory_space<hbm>>) target_semaphore(%run_scoped3A : memref<!tpu.dma_semaphore, #tpu.memory_space<semaphore_mem>>)
      %dma_wait3A = arith.constant 0 : i32
      %dma_wait3A_65 = tpu.memref_slice %arg5[%add3A_61, %dma_wait3A] : memref<20480x128xf32, #tpu.memory_space<hbm>> -> memref<128x128xf32, #tpu.memory_space<hbm>>
      %dma_wait3A_66 = arith.constant 0 : i32
      %dma_wait3A_67 = tpu.memref_slice %arg9[%add3A_56, %dma_wait3A_66] : memref<10240x128xf32, #tpu.memory_space<vmem_shared>> -> memref<128x128xf32, #tpu.memory_space<vmem_shared>>
      tpu.wait_dma2 semaphore(%run_scoped3A : memref<!tpu.dma_semaphore, #tpu.memory_space<semaphore_mem>>) src(%dma_wait3A_67 : memref<128x128xf32, #tpu.memory_space<vmem_shared>>) dst(%dma_wait3A_65 : memref<128x128xf32, #tpu.memory_space<hbm>>)
      tpu.yield
    }) : () -> ()
    return
  }
}

#map = affine_map<(d0, d1) -> (0, 0, 0)>
#map1 = affine_map<(d0, d1) -> (0)>
module attributes {stable_mosaic.version = 14 : i64} {
  func.func @_deg_kernel(%arg0: i32, %arg1: i32, %arg2: memref<32x40x128xi32, #tpu.memory_space<hbm>>, %arg3: memref<20480xf32, #tpu.memory_space<hbm>>, %arg4: memref<40x128xi32, #tpu.memory_space<vmem>>, %arg5: memref<128xf32, #tpu.memory_space<vmem>>, %arg6: memref<640xf32, #tpu.memory_space<vmem>>, %arg7: memref<10240xf32, #tpu.memory_space<vmem_shared>>) attributes {dimension_semantics = [#tpu.dimension_semantics<core_parallel>, #tpu.dimension_semantics<subcore_parallel>], iteration_bounds = array<i64: 2, 16>, scalar_prefetch = 0 : i64, scratch_operands = 4 : i64, tpu.core_type = #tpu.core_type<sc_vector_subcore>, window_params = [{transform_indices = #map}, {transform_indices = #map1}]} {
    %mul3A = arith.constant 16 : i32
    %mul3A_0 = arith.muli %arg0, %mul3A : i32
    %add3A = arith.addi %mul3A_0, %arg1 : i32
    %scan3A = arith.constant 0 : i32
    %scan3A_1 = arith.constant 0 : i32
    %scan3A_2 = arith.constant 40 : i32
    %scan3A_3 = arith.addi %scan3A_1, %scan3A_2 : i32
    %scan3A_4 = arith.constant 1 : i32
    %scan3A_5 = scf.for %scan3A_31 = %scan3A_1 to %scan3A_3 step %scan3A_4 iter_args(%scan3A_32 = %scan3A) -> (i32)  : i32 {
      %broadcast_in_dim3A = arith.constant 0.000000e+00 : f32
      %broadcast_in_dim3A_33 = vector.broadcast %broadcast_in_dim3A : f32 to vector<16xf32>
      %mul3A_34 = arith.constant 16 : i32
      %mul3A_35 = arith.muli %scan3A_31, %mul3A_34 : i32
      %swap3A = arith.index_cast %mul3A_35 : i32 to index
      %swap3A_36 = tpu.vector_load %arg6[%swap3A] {strides = array<i32>} : memref<640xf32, #tpu.memory_space<vmem>>, vector<16xf32>,
      %swap3A_37 = vector.shape_cast %swap3A_36 : vector<16xf32> to vector<16xf32>
      %swap3A_38 = vector.shape_cast %broadcast_in_dim3A_33 : vector<16xf32> to vector<16xf32>
      tpu.vector_store %arg6[%swap3A], %swap3A_38 {strides = array<i32>} : memref<640xf32, #tpu.memory_space<vmem>>, vector<16xf32>,
      %scan3A_39 = arith.constant 0 : i32
      scf.yield %scan3A_39 : i32
    }
    %scan3A_6 = arith.constant 40 : i32
    %scan3A_7 = arith.constant 0 : i32
    %scan3A_8 = arith.constant 0 : i32
    %scan3A_9 = arith.constant 8 : i32
    %scan3A_10 = arith.addi %scan3A_8, %scan3A_9 : i32
    %scan3A_11 = arith.constant 1 : i32
    %scan3A_12 = scf.for %scan3A_31 = %scan3A_8 to %scan3A_10 step %scan3A_11 iter_args(%scan3A_32 = %scan3A_7) -> (i32)  : i32 {
      %broadcast_in_dim3A = arith.constant 1.000000e+00 : f32
      %broadcast_in_dim3A_33 = vector.broadcast %broadcast_in_dim3A : f32 to vector<16xf32>
      %mul3A_34 = arith.constant 16 : i32
      %mul3A_35 = arith.muli %scan3A_31, %mul3A_34 : i32
      %swap3A = arith.index_cast %mul3A_35 : i32 to index
      %swap3A_36 = tpu.vector_load %arg5[%swap3A] {strides = array<i32>} : memref<128xf32, #tpu.memory_space<vmem>>, vector<16xf32>,
      %swap3A_37 = vector.shape_cast %swap3A_36 : vector<16xf32> to vector<16xf32>
      %swap3A_38 = vector.shape_cast %broadcast_in_dim3A_33 : vector<16xf32> to vector<16xf32>
      tpu.vector_store %arg5[%swap3A], %swap3A_38 {strides = array<i32>} : memref<128xf32, #tpu.memory_space<vmem>>, vector<16xf32>,
      %scan3A_39 = arith.constant 0 : i32
      scf.yield %scan3A_39 : i32
    }
    %scan3A_13 = arith.constant 8 : i32
    %mul3A_14 = arith.constant 640 : i32
    %mul3A_15 = arith.muli %arg1, %mul3A_14 : i32
    "tpu.region"() ({
      %run_scoped3A = tpu.sem_alloc : memref<!tpu.dma_semaphore, #tpu.memory_space<semaphore_mem>>
      %dma_start3A = tpu.memref_slice %arg7[%mul3A_15] : memref<10240xf32, #tpu.memory_space<vmem_shared>> -> memref<640xf32, #tpu.memory_space<vmem_shared>>
      %dma_start3A_31 = tpu.memref_slice %arg7[%mul3A_15] : memref<10240xf32, #tpu.memory_space<vmem_shared>> -> memref<640xf32, #tpu.memory_space<vmem_shared>>
      tpu.enqueue_dma source(%arg6 : memref<640xf32, #tpu.memory_space<vmem>>) target(%dma_start3A_31 : memref<640xf32, #tpu.memory_space<vmem_shared>>) target_semaphore(%run_scoped3A : memref<!tpu.dma_semaphore, #tpu.memory_space<semaphore_mem>>)
      %dma_wait3A = tpu.memref_slice %arg7[%mul3A_15] : memref<10240xf32, #tpu.memory_space<vmem_shared>> -> memref<640xf32, #tpu.memory_space<vmem_shared>>
      %dma_wait3A_32 = tpu.memref_slice %arg7[%mul3A_15] : memref<10240xf32, #tpu.memory_space<vmem_shared>> -> memref<640xf32, #tpu.memory_space<vmem_shared>>
      tpu.wait_dma2 semaphore(%run_scoped3A : memref<!tpu.dma_semaphore, #tpu.memory_space<semaphore_mem>>) src(%arg6 : memref<640xf32, #tpu.memory_space<vmem>>) dst(%dma_wait3A_32 : memref<640xf32, #tpu.memory_space<vmem_shared>>)
      tpu.yield
    }) : () -> ()
    %barrier3A = arith.constant 0 : index
    tpu.barrier barrier_id(%barrier3A)
    "tpu.region"() ({
      %run_scoped3A = tpu.sem_alloc : memref<!tpu.dma_semaphore, #tpu.memory_space<semaphore_mem>>
      %dma_start3A = arith.constant 0 : i32
      %dma_start3A_31 = arith.constant 0 : i32
      %dma_start3A_32 = tpu.memref_slice %arg2[%add3A, %dma_start3A, %dma_start3A_31] : memref<32x40x128xi32, #tpu.memory_space<hbm>> -> memref<1x40x128xi32, #tpu.memory_space<hbm>>
      %dma_start3A_33 = tpu.memref_squeeze %dma_start3A_32 : memref<1x40x128xi32, #tpu.memory_space<hbm>> -> memref<40x128xi32, #tpu.memory_space<hbm>>
      %dma_start3A_34 = arith.constant 0 : i32
      %dma_start3A_35 = arith.constant 0 : i32
      %dma_start3A_36 = tpu.memref_slice %arg2[%add3A, %dma_start3A_34, %dma_start3A_35] : memref<32x40x128xi32, #tpu.memory_space<hbm>> -> memref<1x40x128xi32, #tpu.memory_space<hbm>>
      %dma_start3A_37 = tpu.memref_squeeze %dma_start3A_36 : memref<1x40x128xi32, #tpu.memory_space<hbm>> -> memref<40x128xi32, #tpu.memory_space<hbm>>
      tpu.enqueue_dma source(%dma_start3A_37 : memref<40x128xi32, #tpu.memory_space<hbm>>) target(%arg4 : memref<40x128xi32, #tpu.memory_space<vmem>>) target_semaphore(%run_scoped3A : memref<!tpu.dma_semaphore, #tpu.memory_space<semaphore_mem>>)
      %dma_wait3A = arith.constant 0 : i32
      %dma_wait3A_38 = arith.constant 0 : i32
      %dma_wait3A_39 = tpu.memref_slice %arg2[%add3A, %dma_wait3A, %dma_wait3A_38] : memref<32x40x128xi32, #tpu.memory_space<hbm>> -> memref<1x40x128xi32, #tpu.memory_space<hbm>>
      %dma_wait3A_40 = tpu.memref_squeeze %dma_wait3A_39 : memref<1x40x128xi32, #tpu.memory_space<hbm>> -> memref<40x128xi32, #tpu.memory_space<hbm>>
      %dma_wait3A_41 = arith.constant 0 : i32
      %dma_wait3A_42 = arith.constant 0 : i32
      %dma_wait3A_43 = tpu.memref_slice %arg2[%add3A, %dma_wait3A_41, %dma_wait3A_42] : memref<32x40x128xi32, #tpu.memory_space<hbm>> -> memref<1x40x128xi32, #tpu.memory_space<hbm>>
      %dma_wait3A_44 = tpu.memref_squeeze %dma_wait3A_43 : memref<1x40x128xi32, #tpu.memory_space<hbm>> -> memref<40x128xi32, #tpu.memory_space<hbm>>
      tpu.wait_dma2 semaphore(%run_scoped3A : memref<!tpu.dma_semaphore, #tpu.memory_space<semaphore_mem>>) src(%dma_wait3A_44 : memref<40x128xi32, #tpu.memory_space<hbm>>) dst(%arg4 : memref<40x128xi32, #tpu.memory_space<vmem>>)
      tpu.yield
    }) : () -> ()
    %scan3A_16 = arith.constant 0 : i32
    %scan3A_17 = arith.constant 0 : i32
    %scan3A_18 = arith.constant 40 : i32
    %scan3A_19 = arith.addi %scan3A_17, %scan3A_18 : i32
    %scan3A_20 = arith.constant 1 : i32
    %scan3A_21 = scf.for %scan3A_31 = %scan3A_17 to %scan3A_19 step %scan3A_20 iter_args(%scan3A_32 = %scan3A_16) -> (i32)  : i32 {
      "tpu.region"() ({
        %run_scoped3A = tpu.sem_alloc : memref<!tpu.dma_semaphore, #tpu.memory_space<semaphore_mem>>
        %dma_start3A = arith.constant 0 : i32
        %dma_start3A_34 = tpu.memref_slice %arg4[%scan3A_31, %dma_start3A] : memref<40x128xi32, #tpu.memory_space<vmem>> -> memref<1x128xi32, #tpu.memory_space<vmem>>
        %dma_start3A_35 = tpu.memref_squeeze %dma_start3A_34 : memref<1x128xi32, #tpu.memory_space<vmem>> -> memref<128xi32, #tpu.memory_space<vmem>>
        %dma_start3A_36 = arith.constant 0 : i32
        %dma_start3A_37 = tpu.memref_slice %arg7[%dma_start3A_36] : memref<10240xf32, #tpu.memory_space<vmem_shared>> -> memref<10240xf32, #tpu.memory_space<vmem_shared>>
        tpu.enqueue_indirect_dma source(%arg5 : memref<128xf32, #tpu.memory_space<vmem>>) target(%dma_start3A_37 : memref<10240xf32, #tpu.memory_space<vmem_shared>>) offsets(%dma_start3A_35 : memref<128xi32, #tpu.memory_space<vmem>>) semaphore(%run_scoped3A : memref<!tpu.dma_semaphore, #tpu.memory_space<semaphore_mem>>) {add = true}
        %dma_wait3A = arith.constant 0 : i32
        %dma_wait3A_38 = tpu.memref_slice %arg4[%scan3A_31, %dma_wait3A] : memref<40x128xi32, #tpu.memory_space<vmem>> -> memref<1x128xi32, #tpu.memory_space<vmem>>
        %dma_wait3A_39 = tpu.memref_squeeze %dma_wait3A_38 : memref<1x128xi32, #tpu.memory_space<vmem>> -> memref<128xi32, #tpu.memory_space<vmem>>
        %dma_wait3A_40 = arith.constant 0 : i32
        %dma_wait3A_41 = tpu.memref_slice %arg7[%dma_wait3A_40] : memref<10240xf32, #tpu.memory_space<vmem_shared>> -> memref<10240xf32, #tpu.memory_space<vmem_shared>>
        tpu.wait_indirect_dma semaphore(%run_scoped3A : memref<!tpu.dma_semaphore, #tpu.memory_space<semaphore_mem>>) src(%arg5 : memref<128xf32, #tpu.memory_space<vmem>>) dst(%dma_wait3A_41 : memref<10240xf32, #tpu.memory_space<vmem_shared>>)
        tpu.yield
      }) : () -> ()
      %scan3A_33 = arith.constant 0 : i32
      scf.yield %scan3A_33 : i32
    }
    %scan3A_22 = arith.constant 40 : i32
    %barrier3A_23 = arith.constant 0 : index
    tpu.barrier barrier_id(%barrier3A_23)
    %mul3A_24 = arith.constant 640 : i32
    %mul3A_25 = arith.muli %arg1, %mul3A_24 : i32
    %mul3A_26 = arith.constant 10240 : i32
    %mul3A_27 = arith.muli %arg0, %mul3A_26 : i32
    %mul3A_28 = arith.constant 640 : i32
    %mul3A_29 = arith.muli %arg1, %mul3A_28 : i32
    %add3A_30 = arith.addi %mul3A_27, %mul3A_29 : i32
    "tpu.region"() ({
      %run_scoped3A = tpu.sem_alloc : memref<!tpu.dma_semaphore, #tpu.memory_space<semaphore_mem>>
      %dma_start3A = tpu.memref_slice %arg3[%add3A_30] : memref<20480xf32, #tpu.memory_space<hbm>> -> memref<640xf32, #tpu.memory_space<hbm>>
      %dma_start3A_31 = tpu.memref_slice %arg7[%mul3A_25] : memref<10240xf32, #tpu.memory_space<vmem_shared>> -> memref<640xf32, #tpu.memory_space<vmem_shared>>
      tpu.enqueue_dma source(%dma_start3A_31 : memref<640xf32, #tpu.memory_space<vmem_shared>>) target(%dma_start3A : memref<640xf32, #tpu.memory_space<hbm>>) target_semaphore(%run_scoped3A : memref<!tpu.dma_semaphore, #tpu.memory_space<semaphore_mem>>)
      %dma_wait3A = tpu.memref_slice %arg3[%add3A_30] : memref<20480xf32, #tpu.memory_space<hbm>> -> memref<640xf32, #tpu.memory_space<hbm>>
      %dma_wait3A_32 = tpu.memref_slice %arg7[%mul3A_25] : memref<10240xf32, #tpu.memory_space<vmem_shared>> -> memref<640xf32, #tpu.memory_space<vmem_shared>>
      tpu.wait_dma2 semaphore(%run_scoped3A : memref<!tpu.dma_semaphore, #tpu.memory_space<semaphore_mem>>) src(%dma_wait3A_32 : memref<640xf32, #tpu.memory_space<vmem_shared>>) dst(%dma_wait3A : memref<640xf32, #tpu.memory_space<hbm>>)
      tpu.yield
    }) : () -> ()
    return
  }
}

module attributes {stable_mosaic.version = 14 : i64} {
  func.func @body(%arg0: i32, %arg1: memref<2000x256xf32, #tpu.memory_space<vmem>>, %arg2: memref<256x256xf32, #tpu.memory_space<vmem>>, %arg3: memref<2000x1xf32, #tpu.memory_space<vmem>>, %arg4: memref<2000x1xf32, #tpu.memory_space<vmem>>, %arg5: memref<2x2000x128xf32, #tpu.memory_space<vmem>>, %arg6: memref<2000x1xf32, #tpu.memory_space<vmem>>) attributes {dimension_semantics = [#tpu.dimension_semantics<arbitrary>], iteration_bounds = array<i64: 5>, scalar_prefetch = 0 : i64, scratch_operands = 0 : i64, tpu.core_type = #tpu.core_type<tc>, window_params = [{transform_indices = @transform_0, window_bounds = array<i64: 2000, 256>}, {pipeline_mode = #tpu.pipeline_mode<synchronous>, transform_indices = @transform_1, window_bounds = array<i64: 256, 256>}, {transform_indices = @transform_2, window_bounds = array<i64: 2000, 1>}, {transform_indices = @transform_3, window_bounds = array<i64: 2000, 1>}, {transform_indices = @transform_4, window_bounds = array<i64: 2, 2000, 128>}, {transform_indices = @transform_5, window_bounds = array<i64: 2000, 1>}]} {
    %get3A = arith.constant 0 : index
    %get3A_0 = arith.constant 0 : index
    %get3A_1 = vector.load %arg3[%get3A, %get3A_0] : memref<2000x1xf32, #tpu.memory_space<vmem>>, vector<2000x1xf32>
    %get3A_2 = arith.constant 0 : index
    %get3A_3 = arith.constant 0 : index
    %get3A_4 = vector.load %arg4[%get3A_2, %get3A_3] : memref<2000x1xf32, #tpu.memory_space<vmem>>, vector<2000x1xf32>
    %add3A = arith.addf %get3A_1, %get3A_4 : vector<2000x1xf32>
    %add3A_5 = arith.constant 1.000000e+00 : f32
    %add3A_6 = vector.broadcast %add3A_5 : f32 to vector<2000x1xf32>
    %add3A_7 = arith.addf %add3A, %add3A_6 : vector<2000x1xf32>
    %rsqrt3A = math.rsqrt %add3A_7 : vector<2000x1xf32>
    %get3A_8 = arith.constant 0 : index
    %get3A_9 = arith.constant 0 : index
    %get3A_10 = vector.load %arg1[%get3A_8, %get3A_9] : memref<2000x256xf32, #tpu.memory_space<vmem>>, vector<2000x256xf32>
    %get3A_11 = arith.constant 0 : index
    %get3A_12 = arith.constant 0 : index
    %get3A_13 = vector.load %arg2[%get3A_11, %get3A_12] : memref<256x256xf32, #tpu.memory_space<vmem>>, vector<256x256xf32>
    %dot_general3A = arith.constant dense<0.000000e+00> : vector<2000x256xf32>
    %dot_general3A_14 = tpu.matmul %get3A_10, %get3A_13, %dot_general3A {dimension_numbers = #tpu.dot_dimension_numbers<[1], [0], [0], [1], [0, 0, 1, 1], [], []>, transpose_lhs_hint = false} : vector<2000x256xf32>, vector<256x256xf32>, vector<2000x256xf32> -> vector<2000x256xf32>
    %mul3A = vector.broadcast %rsqrt3A : vector<2000x1xf32> to vector<2000x256xf32>
    %mul3A_15 = arith.mulf %dot_general3A_14, %mul3A : vector<2000x256xf32>
    %slice3A = vector.extract_strided_slice %mul3A_15 {offsets = [0, 0], sizes = [2000, 128], strides = [1, 1]} : vector<2000x256xf32> to vector<2000x128xf32>
    %swap3A = arith.constant 0 : index
    %swap3A_16 = arith.constant 0 : index
    %swap3A_17 = arith.constant 0 : index
    %swap3A_18 = vector.load %arg5[%swap3A, %swap3A_16, %swap3A_17] : memref<2x2000x128xf32, #tpu.memory_space<vmem>>, vector<1x2000x128xf32>
    %swap3A_19 = vector.shape_cast %swap3A_18 : vector<1x2000x128xf32> to vector<2000x128xf32>
    %swap3A_20 = vector.shape_cast %slice3A : vector<2000x128xf32> to vector<1x2000x128xf32>
    tpu.vector_store %arg5[%swap3A, %swap3A_16, %swap3A_17], %swap3A_20 {strides = array<i32>} : memref<2x2000x128xf32, #tpu.memory_space<vmem>>, vector<1x2000x128xf32>,
    %slice3A_21 = vector.extract_strided_slice %mul3A_15 {offsets = [0, 128], sizes = [2000, 128], strides = [1, 1]} : vector<2000x256xf32> to vector<2000x128xf32>
    %swap3A_22 = arith.constant 1 : index
    %swap3A_23 = arith.constant 0 : index
    %swap3A_24 = arith.constant 0 : index
    %swap3A_25 = vector.load %arg5[%swap3A_22, %swap3A_23, %swap3A_24] : memref<2x2000x128xf32, #tpu.memory_space<vmem>>, vector<1x2000x128xf32>
    %swap3A_26 = vector.shape_cast %swap3A_25 : vector<1x2000x128xf32> to vector<2000x128xf32>
    %swap3A_27 = vector.shape_cast %slice3A_21 : vector<2000x128xf32> to vector<1x2000x128xf32>
    tpu.vector_store %arg5[%swap3A_22, %swap3A_23, %swap3A_24], %swap3A_27 {strides = array<i32>} : memref<2x2000x128xf32, #tpu.memory_space<vmem>>, vector<1x2000x128xf32>,
    %swap3A_28 = arith.constant 0 : index
    %swap3A_29 = arith.constant 0 : index
    %swap3A_30 = vector.load %arg6[%swap3A_28, %swap3A_29] : memref<2000x1xf32, #tpu.memory_space<vmem>>, vector<2000x1xf32>
    tpu.vector_store %arg6[%swap3A_28, %swap3A_29], %rsqrt3A {strides = array<i32>} : memref<2000x1xf32, #tpu.memory_space<vmem>>, vector<2000x1xf32>,
    return
  }
  func.func @transform_0(%arg0: i32) -> (i32, i32) {
    %c0_i32 = arith.constant 0 : i32
    %c0_i32_0 = arith.constant 0 : i32
    return %arg0, %c0_i32 : i32, i32
  }
  func.func @transform_1(%arg0: i32) -> (i32, i32) {
    %c0_i32 = arith.constant 0 : i32
    %c0_i32_0 = arith.constant 0 : i32
    %c0_i32_1 = arith.constant 0 : i32
    return %c0_i32, %c0_i32_0 : i32, i32
  }
  func.func @transform_2(%arg0: i32) -> (i32, i32) {
    %c0_i32 = arith.constant 0 : i32
    %c0_i32_0 = arith.constant 0 : i32
    return %arg0, %c0_i32 : i32, i32
  }
  func.func @transform_3(%arg0: i32) -> (i32, i32) {
    %c0_i32 = arith.constant 0 : i32
    %c0_i32_0 = arith.constant 0 : i32
    return %arg0, %c0_i32 : i32, i32
  }
  func.func @transform_4(%arg0: i32) -> (i32, i32, i32) {
    %c0_i32 = arith.constant 0 : i32
    %c0_i32_0 = arith.constant 0 : i32
    %c0_i32_1 = arith.constant 0 : i32
    return %c0_i32, %arg0, %c0_i32_0 : i32, i32, i32
  }
  func.func @transform_5(%arg0: i32) -> (i32, i32) {
    %c0_i32 = arith.constant 0 : i32
    %c0_i32_0 = arith.constant 0 : i32
    return %arg0, %c0_i32 : i32, i32
  }
}

module attributes {stable_mosaic.version = 14 : i64} {
  func.func @body(%arg0: i32, %arg1: memref<2000x256xf32, #tpu.memory_space<vmem>>, %arg2: memref<2000x128xf32, #tpu.memory_space<vmem>>, %arg3: memref<2000x128xf32, #tpu.memory_space<vmem>>, %arg4: memref<2000x128xf32, #tpu.memory_space<vmem>>, %arg5: memref<2000x128xf32, #tpu.memory_space<vmem>>, %arg6: memref<2000x1xf32, #tpu.memory_space<vmem>>, %arg7: memref<1x256xf32, #tpu.memory_space<vmem>>, %arg8: memref<2000x256xf32, #tpu.memory_space<vmem>>) attributes {dimension_semantics = [#tpu.dimension_semantics<arbitrary>], iteration_bounds = array<i64: 5>, scalar_prefetch = 0 : i64, scratch_operands = 0 : i64, tpu.core_type = #tpu.core_type<tc>, window_params = [{transform_indices = @transform_0, window_bounds = array<i64: 2000, 256>}, {transform_indices = @transform_1, window_bounds = array<i64: 2000, 128>}, {transform_indices = @transform_2, window_bounds = array<i64: 2000, 128>}, {transform_indices = @transform_3, window_bounds = array<i64: 2000, 128>}, {transform_indices = @transform_4, window_bounds = array<i64: 2000, 128>}, {transform_indices = @transform_5, window_bounds = array<i64: 2000, 1>}, {pipeline_mode = #tpu.pipeline_mode<synchronous>, transform_indices = @transform_6, window_bounds = array<i64: 1, 256>}, {transform_indices = @transform_7, window_bounds = array<i64: 2000, 256>}]} {
    %get3A = arith.constant 0 : index
    %get3A_0 = arith.constant 0 : index
    %get3A_1 = vector.load %arg6[%get3A, %get3A_0] : memref<2000x1xf32, #tpu.memory_space<vmem>>, vector<2000x1xf32>
    %get3A_2 = arith.constant 0 : index
    %get3A_3 = arith.constant 0 : index
    %get3A_4 = vector.load %arg4[%get3A_2, %get3A_3] : memref<2000x128xf32, #tpu.memory_space<vmem>>, vector<2000x128xf32>
    %get3A_5 = arith.constant 0 : index
    %get3A_6 = arith.constant 0 : index
    %get3A_7 = vector.load %arg2[%get3A_5, %get3A_6] : memref<2000x128xf32, #tpu.memory_space<vmem>>, vector<2000x128xf32>
    %add3A = arith.addf %get3A_4, %get3A_7 : vector<2000x128xf32>
    %mul3A = vector.broadcast %get3A_1 : vector<2000x1xf32> to vector<2000x128xf32>
    %mul3A_8 = arith.mulf %mul3A, %add3A : vector<2000x128xf32>
    %get3A_9 = arith.constant 0 : index
    %get3A_10 = arith.constant 0 : index
    %get3A_11 = vector.load %arg7[%get3A_9, %get3A_10] : memref<1x256xf32, #tpu.memory_space<vmem>>, vector<1x128xf32>
    %add3A_12 = vector.broadcast %get3A_11 : vector<1x128xf32> to vector<2000x128xf32>
    %add3A_13 = arith.addf %mul3A_8, %add3A_12 : vector<2000x128xf32>
    %get3A_14 = arith.constant 0 : index
    %get3A_15 = arith.constant 0 : index
    %get3A_16 = vector.load %arg5[%get3A_14, %get3A_15] : memref<2000x128xf32, #tpu.memory_space<vmem>>, vector<2000x128xf32>
    %get3A_17 = arith.constant 0 : index
    %get3A_18 = arith.constant 0 : index
    %get3A_19 = vector.load %arg3[%get3A_17, %get3A_18] : memref<2000x128xf32, #tpu.memory_space<vmem>>, vector<2000x128xf32>
    %add3A_20 = arith.addf %get3A_16, %get3A_19 : vector<2000x128xf32>
    %mul3A_21 = vector.broadcast %get3A_1 : vector<2000x1xf32> to vector<2000x128xf32>
    %mul3A_22 = arith.mulf %mul3A_21, %add3A_20 : vector<2000x128xf32>
    %get3A_23 = arith.constant 0 : index
    %get3A_24 = arith.constant 128 : index
    %get3A_25 = vector.load %arg7[%get3A_23, %get3A_24] : memref<1x256xf32, #tpu.memory_space<vmem>>, vector<1x128xf32>
    %add3A_26 = vector.broadcast %get3A_25 : vector<1x128xf32> to vector<2000x128xf32>
    %add3A_27 = arith.addf %mul3A_22, %add3A_26 : vector<2000x128xf32>
    %concatenate3A = tpu.concatenate %add3A_13, %add3A_27 in 1 : vector<2000x128xf32>, vector<2000x128xf32> -> vector<2000x256xf32>
    %mul3A_28 = arith.constant 5.000000e-01 : f32
    %mul3A_29 = vector.broadcast %mul3A_28 : f32 to vector<2000x256xf32>
    %mul3A_30 = arith.mulf %mul3A_29, %concatenate3A : vector<2000x256xf32>
    %mul3A_31 = arith.constant 0.707106769 : f32
    %mul3A_32 = vector.broadcast %mul3A_31 : f32 to vector<2000x256xf32>
    %mul3A_33 = arith.mulf %concatenate3A, %mul3A_32 : vector<2000x256xf32>
    %erf3A = math.erf %mul3A_33 : vector<2000x256xf32>
    %add3A_34 = arith.constant 1.000000e+00 : f32
    %add3A_35 = vector.broadcast %add3A_34 : f32 to vector<2000x256xf32>
    %add3A_36 = arith.addf %add3A_35, %erf3A : vector<2000x256xf32>
    %mul3A_37 = arith.mulf %mul3A_30, %add3A_36 : vector<2000x256xf32>
    %get3A_38 = arith.constant 0 : index
    %get3A_39 = arith.constant 0 : index
    %get3A_40 = vector.load %arg1[%get3A_38, %get3A_39] : memref<2000x256xf32, #tpu.memory_space<vmem>>, vector<2000x256xf32>
    %add3A_41 = arith.addf %get3A_40, %mul3A_37 : vector<2000x256xf32>
    %swap3A = arith.constant 0 : index
    %swap3A_42 = arith.constant 0 : index
    %swap3A_43 = vector.load %arg8[%swap3A, %swap3A_42] : memref<2000x256xf32, #tpu.memory_space<vmem>>, vector<2000x256xf32>
    tpu.vector_store %arg8[%swap3A, %swap3A_42], %add3A_41 {strides = array<i32>} : memref<2000x256xf32, #tpu.memory_space<vmem>>, vector<2000x256xf32>,
    return
  }
  func.func @transform_0(%arg0: i32) -> (i32, i32) {
    %c0_i32 = arith.constant 0 : i32
    %c0_i32_0 = arith.constant 0 : i32
    return %arg0, %c0_i32 : i32, i32
  }
  func.func @transform_1(%arg0: i32) -> (i32, i32) {
    %c0_i32 = arith.constant 0 : i32
    %c0_i32_0 = arith.constant 0 : i32
    return %arg0, %c0_i32 : i32, i32
  }
  func.func @transform_2(%arg0: i32) -> (i32, i32) {
    %c0_i32 = arith.constant 0 : i32
    %c0_i32_0 = arith.constant 0 : i32
    return %arg0, %c0_i32 : i32, i32
  }
  func.func @transform_3(%arg0: i32) -> (i32, i32) {
    %c0_i32 = arith.constant 0 : i32
    %c0_i32_0 = arith.constant 0 : i32
    return %arg0, %c0_i32 : i32, i32
  }
  func.func @transform_4(%arg0: i32) -> (i32, i32) {
    %c0_i32 = arith.constant 0 : i32
    %c0_i32_0 = arith.constant 0 : i32
    return %arg0, %c0_i32 : i32, i32
  }
  func.func @transform_5(%arg0: i32) -> (i32, i32) {
    %c0_i32 = arith.constant 0 : i32
    %c0_i32_0 = arith.constant 0 : i32
    return %arg0, %c0_i32 : i32, i32
  }
  func.func @transform_6(%arg0: i32) -> (i32, i32) {
    %c0_i32 = arith.constant 0 : i32
    %c0_i32_0 = arith.constant 0 : i32
    %c0_i32_1 = arith.constant 0 : i32
    return %c0_i32, %c0_i32_0 : i32, i32
  }
  func.func @transform_7(%arg0: i32) -> (i32, i32) {
    %c0_i32 = arith.constant 0 : i32
    %c0_i32_0 = arith.constant 0 : i32
    return %arg0, %c0_i32 : i32, i32
  }
}

</mosaic_0001>

<sc_bundles>
// kernel: kernel.6.cloned.1.call-start
scs
__scs_entry_jumppad:
0x0: {  	(pc) =	sbr.rel $0x88, $3  }
0x1: {  	(tag) =	ssettag $0x0;
	lr =	simm.s32 $0x1  }
0x2: {  	[smem:$0x3F9D] =	sst lr;
	_ =	strace $0xD0000000  }
0x3: {  	_ = 	snop  }
0x4: {  	_ = 	snop  }
0x5: {  	_ = 	snop  }
0x6: {  	_ = 	snop  }
0x7: {  	_ = 	snop  }
__scs_overlays_trampoline_lowered:
0x8: {  	[smem:$0x3FAC] =	sst s0  }
0x9: {  	[smem:$0x3FAD] =	sst s1  }
0xa: {  	[smem:$0x3FAE] =	sst s2  }
0xb: {  	[smem:$0x3FAF] =	sst s3  }
0xc: {  	[smem:$0x3FB0] =	sst s4  }
0xd: {  	[smem:$0x3FB1] =	sst s5  }
0xe: {  	[smem:$0x3FB2] =	sst s6  }
0xf: {  	[smem:$0x3FB3] =	sst s7  }
0x10: {  	[smem:$0x3FB4] =	sst s8  }
0x11: {  	[smem:$0x3FB5] =	sst s9;
	s0 =	simm.s32 @!p0 $0x0  }
0x12: {  	s1 =	sld [smem:$0x3F9B];
	s0 =	simm.s32 @p0 $0x1  }
0x13: {  	[smem:$0x3FB6] =	sst s0;
	s0 =	simm.s32 @!p1 $0x0  }
0x14: {  	s2 =	sld [smem:$0x3F9A];
	s0 =	simm.s32 @p1 $0x1  }
0x15: {  	[smem:$0x3FB7] =	sst s0;
	s0 =	simm.s32 @!p2 $0x0  }
0x16: {  	s3 =	sld [smem:$0x3FDB];
	s0 =	simm.s32 @p2 $0x1  }
0x17: {  	s4 =	simm.s32 $0x1BF5;
	[smem:$0x3FB9] =	sst s0  }
0x18: {  	s0 =	sld [smem:$0x3F9C];
	_ =	swait.ge [sflag:s4], $0x0  }
0x19: {  	s7 =	sld [smem:$0x3F9D]  }
0x1a: {  	s8 =	sadd.s32 $0xFFFFE003, lr  }
0x1b: {  	s9 =	sadd.s32 $0xFFFFFEF7, lr;
	s5 =	simm.s32 $0xFFFFFFFF;
	p2 =	slt.u32 s8, $0xFFFFF086  }
0x1c: {  	p1 =	slt.u32 s9, $0xF7A;
	s5 =	simm.s32 @!p2 $0x0  }
0x1d: {  	s5 =	simm.s32 @p1 $0x1;
	p0 =	seq.s32 s7, s2  }
0x1e: {  	s7 =	smul.u32 @!p0 $0xF7A, s2;
	p2 =	seq.s32 @!p0 s5, $0x0  }
0x1f: {  	s9 =	smul.u32 $0xF7A, s1;
	s8 =	simm.s32 @!p0 $0x1BF5;
	p2 =	por !p2, p0  }
0x20: {  	[sflag:s8] =	ssyncset.s32 @!p0 $0xFFFFF086;
	s6 =	sadd.s32 @!p0 s3, s7;
	s7 =	simm.s32 @!p0 $0x108  }
0x21: {  	s3 =	sadd.s32 s3, s9;
	s6 =	sadd.s32 @!p0 $0x88, s6;
	s7 =	simm.s32 @p2 $0x1082  }
0x22: {  	[simem:s7], [sflag:s8] =	dma.local @!p0 [hbm:s6], $0xF7A  }
0x23: {  	s9 =	sor.u32 $0xD0000000, s2;
	s6 =	simm.s32 $0x108;
	_ =	swait.ge @!p0 [sflag:s8], $0x0  }
0x24: {  	s3 =	sadd.s32 $0x88, s3;
	s6 =	simm.s32 @!p1 $0x1082;
	[sflag:s4] =	ssyncset.s32 $0xFFFFF086  }
0x25: {  	[simem:s6], [sflag:s4] =	dma.local [hbm:s3], $0xF7A  }
0x26: {  	[smem:$0x3F9D] =	sst s1;
	(tag) =	ssettag s2;
	_ =	strace s9  }
0x27: {  	s1 =	sld [smem:$0x3FAD]  }
0x28: {  	s2 =	sld [smem:$0x3FAE]  }
0x29: {  	s4 =	sld [smem:$0x3FB0]  }
0x2a: {  	p0 =	seq.s32 s5, $0x0;
	s5 =	sld [smem:$0x3FB1]  }
0x2b: {  	s6 =	sld [smem:$0x3FB2]  }
0x2c: {  	s7 =	sld [smem:$0x3FB3]  }
0x2d: {  	s3 =	simm.s32 $0x108;
	s8 =	sld [smem:$0x3FB4]  }
0x2e: {  	s3 =	simm.s32 @!p0 $0x1082;
	s9 =	sld [smem:$0x3FB5]  }
0x2f: {  	lr =	sadd.s32 s0, s3;
	s0 =	sld [smem:$0x3FAC]  }
0x30: {  	s3 =	sld [smem:$0x3FAF]  }
0x31: {  	[smem:$0x3FB8] =	sst s10  }
0x32: {  	s10 =	sld [smem:$0x3FB6];
	_ =	sdelay $0x3  }
0x33: {  	p0 =	seq.s32 s10, $0x1;
	s10 =	sld [smem:$0x3FB8];
	_ =	sdelay $0x3  }
0x34: {  	[smem:$0x3FB8] =	sst s10  }
0x35: {  	s10 =	sld [smem:$0x3FB7];
	_ =	sdelay $0x3  }
0x36: {  	p1 =	seq.s32 s10, $0x1;
	s10 =	sld [smem:$0x3FB8];
	_ =	sdelay $0x3  }
0x37: {  	[smem:$0x3FB8] =	sst s10  }
0x38: {  	s10 =	sld [smem:$0x3FB9]  }
0x39: {  	_ = 	snop;
	(pc) =	sbr.ind lr, $3  }
0x3a: {  	_ = 	snop  }
0x3b: {  	_ = 	snop  }
0x3c: {  	p2 =	seq.s32 s10, $0x1;
	s10 =	sld [smem:$0x3FB8]  }
0x3d: {  	_ =	shalt  }
0x3e: {  	_ =	shalt  }
0x3f: {  	_ =	shalt  }
0x40: {  	_ =	shalt  }
0x41: {  	_ =	shalt  }
0x42: {  	_ =	shalt  }
0x43: {  	_ =	shalt  }
0x44: {  	_ =	shalt  }
0x45: {  	_ =	shalt  }
0x46: {  	_ =	shalt  }
0x47: {  	_ =	shalt  }
0x48: {  	_ =	shalt  }
0x49: {  	_ =	shalt  }
0x4a: {  	_ =	shalt  }
0x4b: {  	_ =	shalt  }
0x4c: {  	_ =	shalt  }
0x4d: {  	_ =	shalt  }
0x4e: {  	_ =	shalt  }
0x4f: {  	_ =	shalt  }
0x50: {  	_ =	shalt  }
0x51: {  	_ =	shalt  }
0x52: {  	_ =	shalt  }
0x53: {  	_ =	shalt  }
0x54: {  	_ =	shalt  }
0x55: {  	_ =	shalt  }
0x56: {  	_ =	shalt  }
0x57: {  	_ =	shalt  }
0x58: {  	_ =	shalt  }
0x59: {  	_ =	shalt  }
0x5a: {  	_ =	shalt  }
0x5b: {  	_ =	shalt  }
0x5c: {  	_ =	shalt  }
0x5d: {  	_ =	shalt  }
0x5e: {  	_ =	shalt  }
0x5f: {  	_ =	shalt  }
0x60: {  	_ =	shalt  }
0x61: {  	_ =	shalt  }
0x62: {  	_ =	shalt  }
0x63: {  	_ =	shalt  }
0x64: {  	_ =	shalt  }
0x65: {  	_ =	shalt  }
0x66: {  	_ =	shalt  }
0x67: {  	_ =	shalt  }
0x68: {  	_ =	shalt  }
0x69: {  	_ =	shalt  }
0x6a: {  	_ =	shalt  }
0x6b: {  	_ =	shalt  }
0x6c: {  	_ =	shalt  }
0x6d: {  	_ =	shalt  }
0x6e: {  	_ =	shalt  }
0x6f: {  	_ =	shalt  }
0x70: {  	_ =	shalt  }
0x71: {  	_ =	shalt  }
0x72: {  	_ =	shalt  }
0x73: {  	_ =	shalt  }
0x74: {  	_ =	shalt  }
0x75: {  	_ =	shalt  }
0x76: {  	_ =	shalt  }
0x77: {  	_ =	shalt  }
0x78: {  	_ =	shalt  }
0x79: {  	_ =	shalt  }
0x7a: {  	_ =	shalt  }
0x7b: {  	_ =	shalt  }
0x7c: {  	_ =	shalt  }
0x7d: {  	_ =	shalt  }
0x7e: {  	_ =	shalt  }
0x7f: {  	_ =	shalt  }
0x80: {  	_ =	shalt  }
0x81: {  	_ =	shalt  }
0x82: {  	_ =	shalt  }
0x83: {  	_ =	shalt  }
0x84: {  	_ =	shalt  }
0x85: {  	_ =	shalt  }
0x86: {  	_ =	shalt  }
0x87: {  	_ =	shalt  }
.Lfunc_end0:
.L_simem_size_0:
called_computation_lowered:
.L_overlay_start_0:
0x88: {  	s2 =	sld [smem:$0x3FD9]  }
0x89: {  	s3 =	sld [smem:$0x3FFE];
	_ =	sdelay $0x1  }
0x8a: {  	s1 =	srdreg.scid  }
0x8b: {  	s0 =	sand.u32 $0x1, s1  }
0x8c: {  	s17 =	sshll.u32 s0, $0xA;
	s2 =	sadd.s32 s3, s2  }
0x8d: {  	s2 =	sadd.s32 s2, s17  }
0x8e: {  	[smem:$0x3FC4] =	sst s2  }
0x8f: {  	_ = 	snop  }
0x90: {  	s2 =	sld [smem:$0x3FD0];
	(tm) =	ssettm $0x1  }
0x91: {  	s18 =	sld [smem:$0x3FFB];
	_ =	sdelay $0x3  }
0x92: {  	_ =	strace s18  }
0x93: {  	s3 =	sld [smem:$0x3FFC];
	_ =	sdelay $0x3  }
0x94: {  	_ =	strace s3  }
0x95: {  	s3 =	sld [smem:$0x3FFD];
	_ =	sdelay $0x3  }
0x96: {  	_ =	strace s3  }
0x97: {  	_ =	strace $0x8FFFFFFF  }
0x98: {  	s19 =	sld [smem:$0x3FDB];
	_ =	sdelay $0x1  }
0x99: {  	s4 =	simm.s32 $_scs_section_size  }
0x9a: {  	s5 =	simm.s32 $_size__tile_overlayer_lowered;
	s6 =	simm.s32 $_tile_overlayer_lowered  }
0x9b: {  	s22 =	simm.s32 $0x1BFF;
	s21 =	sshll.u32 s6, $0x1;
	s3 =	sadd.s32 s4, s19  }
0x9c: {  	s7 =	simm.s32 $0x0;
	s20 =	sshll.u32 s5, $0x1;
	s5 =	sadd.s32 s21, s3  }
0x9d: {  	[timem:s7], [sflag:s22] =	dma.local [hbm:s5], s20  }
0x9e: {  	_ =	swait.ge [sflag:s22], s20  }
0x9f: {  	s4 =	ssub.s32 $0x0, s20;
	[sflag:s22] =	ssyncset.done $0x0  }
0xa0: {  	[sflag:s22] =	ssyncadd.s32 s4;
	_ =	sdelay $0x1  }
0xa1: {  	s23 =	simm.s32 $0x1B8B  }
0xa2: {  	_ =	swait.ge [sflag:s23], $0x1  }
0xa3: {  	[sflag:s23] =	ssyncset.done $0x0  }
0xa4: {  	s25 =	simm.s32 $0x1B8E;
	s24 =	sld [smem:$0x3FFE];
	[sflag:s23] =	ssyncadd.s32 $0xFFFFFFFF  }
0xa5: {  	s26 =	simm.s32 $execute0_lowered;
	[smem:$0x3FD2] =	sst s25  }
0xa6: {  	s5 =	sshll.u32 s26, $0x1;
	_ =	strace $0x80000046;
	[dreg:$0x1] =	wrdreg $0xFFFFFFFF  }
0xa7: {  	s28 =	simm.s32 $_size_execute0_lowered;
	s3 =	sadd.s32 s3, s5;
	[dreg:$0x0] =	wrdreg $0x0  }
0xa8: {  	s5 =	sshll.u32 s28, $0x1;
	[dreg:$0x2] =	wrdreg s3  }
0xa9: {  	[dreg:$0x3] =	wrdreg s5  }
0xaa: {  	[dreg:$0x4] =	wrdreg $0xC0  }
0xab: {  	_ =	task [dreg:s7], $0x5FFFF  }
0xac: {  	[dreg:$0x1] =	wrdreg $0xFFFFFFFF  }
0xad: {  	[dreg:$0x0] =	wrdreg $0x60  }
0xae: {  	[dreg:$0x2] =	wrdreg s2  }
0xaf: {  	[dreg:$0x3] =	wrdreg s24  }
0xb0: {  	[dreg:$0x4] =	wrdreg $0x17000  }
0xb1: {  	[dreg:$0x5] =	wrdreg $0x9  }
0xb2: {  	_ =	task.clear_ibuf [dreg:s7], $0x6FFFF;
	_ =	strace $0x90000046  }
0xb3: {  	s29 =	simm.s32 $0x9;
	_ =	strace $0x80000048  }
0xb4: {  	_ =	swait.ge [sflag:s29], $0x1  }
0xb5: {  	[sflag:s29] =	ssyncadd.s32 $0xFFFFFFFF  }
0xb6: {  	_ =	strace $0x90000048  }
0xb7: {  	_ =	sfence  }
0xb8: {  	s30 =	sld [smem:$0x0];
	_ =	sdelay $0x2  }
0xb9: {  	s31 =	sshll.u32 s1, $0xD;
	s1 =	sshrl.u32 s1, $0x2  }
0xba: {  	s3 =	sand.u32 $0x4000, s31;
	s1 =	sadd.s32 s1, s30  }
0xbb: {  	s0 =	sor.u32 s3, s0;
	s1 =	sshll.u32 s1, $0x11  }
0xbc: {  	s0 =	sor.u32 s1, s0  }
0xbd: {  	s0 =	sadd.s32 $0x8F2B, s0  }
0xbe: {  	[sflag:s0] =	ssyncadd.remote.s32 $0x1  }
0xbf: {  	_ =	sfence.sel $0xFFFF  }
0xc0: {  	[dreg:$0x0] =	wrdreg $0xFFFFFFFF;
	(pc) =	sbr.abs _section_cstart, $3  }
0xc1: {  	[dreg:$0x1] =	wrdreg $0xFFFFFFFF  }
0xc2: {  	_ =	task.clear_ibuf [dreg:s7], $0x2FFFF;
	_ =	strace $0x9FFFFFFF  }
0xc3: {  	(tm) =	ssettm $0x7FFFFFFF  }
tec
execute0_lowered:
.L_overlay_start_1:
0x0: {  	(tag) =	ssettag $0x1  }
0x1: {  	s5 =	rddreg [dreg:$0x0]  }
0x2: {  	s4 =	rddreg [dreg:$0x1];
	s1 =	srdreg.scid  }
0x3: {  	s0 =	stileid.u32;
	s2 =	rddreg [dreg:$0x2];
	s3 =	simm.s32 $0x0  }
0x4: {  	s11 =	simm.s32 $0x1400;
	s6 =	sand.u32 $0x1, s1;
	s1 =	rddreg [dreg:$0x3]  }
0x5: {  	s14 =	simm.s32 $0x0;
	s7 =	smul.u32 $0x280, s0;
	[smem:$0x7FF] =	sst s3  }
0x6: {  	s12 =	sshll.u32 s0, $0x6;
	s8 =	smul.u32 $0x2800, s6;
	s9 =	sshll.u32 s6, $0x4  }
0x7: {  	s6 =	ssub.s32 $0x2, s6;
	_ =	strace $0x80000047;
	s9 =	sor.u32 s0, s9  }
0x8: {  	s10 =	sshrl.u32 s6, $0x1;
	s8 =	sadd.s32 s7, s8;
	s9 =	smul.u32 $0x280, s9  }
0x9: {  	s12 =	sor.u32 $0x1C01, s12;
	s10 =	ssub.s32 s6, s10;
	s8 =	sshrl.u32 s8, $0x3  }
0xa: {  	s8 =	sadd.s32 s8, s4;
	s4 =	sadd.s32 s7, s2;
	s5 =	sadd.s32 s5, s9  }
0xb: {  	s7 =	smax.u32 s10, $0x1;
	s9 =	simm.s32 $0x1;
	s10 =	simm.s32 $0x80  }
0xc: {  	v0 =	vimm.f32 $0.0e+00;
	v1 =	vimm.f32 $1.000000000e+00;
	s6 =	sadd.s32 $0x1200, s8;
	s8 =	simm.s32 $0x1480;
	s13 =	sshrl.u32 s4, $0x3  }
.LBB2_1:
0xd: {  	[tilespmem:$0x1480] =	vst v0  }
0xe: {  	[tilespmem:$0x1490] =	vst v0  }
0xf: {  	[tilespmem:$0x14A0] =	vst v0  }
0x10: {  	[tilespmem:$0x14B0] =	vst v0  }
0x11: {  	[tilespmem:$0x14C0] =	vst v0  }
0x12: {  	[tilespmem:$0x14D0] =	vst v0  }
0x13: {  	[tilespmem:$0x14E0] =	vst v0  }
0x14: {  	[tilespmem:$0x14F0] =	vst v0  }
0x15: {  	[tilespmem:$0x1500] =	vst v0  }
0x16: {  	[tilespmem:$0x1510] =	vst v0  }
0x17: {  	[tilespmem:$0x1520] =	vst v0  }
0x18: {  	[tilespmem:$0x1530] =	vst v0  }
0x19: {  	[tilespmem:$0x1540] =	vst v0  }
0x1a: {  	[tilespmem:$0x1550] =	vst v0  }
0x1b: {  	[tilespmem:$0x1560] =	vst v0  }
0x1c: {  	[tilespmem:$0x1570] =	vst v0  }
0x1d: {  	[tilespmem:$0x1580] =	vst v0  }
0x1e: {  	[tilespmem:$0x1590] =	vst v0  }
0x1f: {  	[tilespmem:$0x15A0] =	vst v0  }
0x20: {  	[tilespmem:$0x15B0] =	vst v0  }
0x21: {  	[tilespmem:$0x15C0] =	vst v0  }
0x22: {  	[tilespmem:$0x15D0] =	vst v0  }
0x23: {  	[tilespmem:$0x15E0] =	vst v0  }
0x24: {  	[tilespmem:$0x15F0] =	vst v0  }
0x25: {  	[tilespmem:$0x1600] =	vst v0  }
0x26: {  	[tilespmem:$0x1610] =	vst v0  }
0x27: {  	[tilespmem:$0x1620] =	vst v0  }
0x28: {  	[tilespmem:$0x1630] =	vst v0  }
0x29: {  	[tilespmem:$0x1640] =	vst v0  }
0x2a: {  	[tilespmem:$0x1650] =	vst v0  }
0x2b: {  	[tilespmem:$0x1660] =	vst v0  }
0x2c: {  	[tilespmem:$0x1670] =	vst v0  }
0x2d: {  	[tilespmem:$0x1680] =	vst v0  }
0x2e: {  	[tilespmem:$0x1690] =	vst v0  }
0x2f: {  	[tilespmem:$0x16A0] =	vst v0  }
0x30: {  	[tilespmem:$0x16B0] =	vst v0  }
0x31: {  	[tilespmem:$0x16C0] =	vst v0  }
0x32: {  	[tilespmem:$0x16D0] =	vst v0  }
0x33: {  	[tilespmem:$0x16E0] =	vst v0  }
0x34: {  	[tilespmem:$0x16F0] =	vst v0  }
0x35: {  	[tilespmem:$0x1400] =	vst v1  }
0x36: {  	[tilespmem:$0x1410] =	vst v1  }
0x37: {  	[tilespmem:$0x1420] =	vst v1  }
0x38: {  	[tilespmem:$0x1430] =	vst v1  }
0x39: {  	[tilespmem:$0x1440] =	vst v1  }
0x3a: {  	[tilespmem:$0x1450] =	vst v1  }
0x3b: {  	[tilespmem:$0x1460] =	vst v1  }
0x3c: {  	[tilespmem:$0x1470] =	vst v1  }
0x3d: {  	[spmem:s4] =	stream.linear.scatter [tilespmem:s8], [sflag:$0x1], $0x280, $0x38;
	[tilespmem:$0x1980] =	vst v63  }
0x3e: {  	_ =	swait.ge [sflag:s9], $0x280  }
0x3f: {  	[sflag:s9] =	ssyncset.done $0x0  }
0x40: {  	[sflag:s9] =	ssyncadd.s32 $0xFFFFFD80  }
0x41: {  	[bflag:$0x0] =	sbarrier.arrive $0xFFFF  }
0x42: {  	[tilespmem:s3], [sflag:$0x1] =	stream.linear.gather [hbm4b:s5+s3], $0x1400, $0x38;
	[tilespmem:$0x1980] =	vst v63  }
0x43: {  	_ =	swait.ge [sflag:s9], $0x1400  }
0x44: {  	[sflag:s9] =	ssyncset.done $0x0  }
0x45: {  	s15 =	simm.s32 $0x0;
	[sflag:s9] =	ssyncadd.s32 $0xFFFFEC00  }
0x46: {  	[spmem:s2] =	stream.indirect.scatter.add.f32 [tilespmem:s11], [sflag:$0x1], $0x1, s15, s10, $0xb8;
	[tilespmem:$0x1980] =	vst v63  }
0x47: {  	_ =	swait.ge [sflag:s9], $0x80  }
0x48: {  	s15 =	simm.s32 $0x200;
	[sflag:s9] =	ssyncset.done $0x0  }
.LBB2_2:
0x49: {  	s16 =	sshra.s32 s15, $0x2;
	[sflag:s9] =	ssyncadd.s32 $0xFFFFFF80;
	p0 =	sne.s32 s15, $0x4E00  }
0x4a: {  	[spmem:s2] =	stream.indirect.scatter.add.f32 [tilespmem:s11], [sflag:$0x1], $0x1, s16, s10, $0xb8;
	[tilespmem:$0x1980] =	vst v63  }
.Ltmp0:
0x4b: {  	_ = 	snop;
	(pc) =	sbr.rel @p0 .LBB2_2-.Ltmp0, $4  }
0x4c: {  	_ = 	snop  }
0x4d: {  	s15 =	sadd.s32 $0x200, s15  }
0x4e: {  	_ =	swait.ge [sflag:s9], $0x80  }
0x4f: {  	[sflag:s9] =	ssyncset.done $0x0  }
0x50: {  	s14 =	sadd.s32 $0x1, s14  }
0x51: {  	[sflag:s9] =	ssyncadd.s32 $0xFFFFFF80;
	p0 =	sne.s32 s14, s7  }
.Ltmp1:
0x52: {  	[bflag:$0x0] =	sbarrier.arrive $0xFFFF;
	(pc) =	sbr.rel @p0 .LBB2_1-.Ltmp1, $4  }
0x53: {  	[hbm:s6], [sflag:s12] =	dma.local [spmem:s13], $0x50  }
0x54: {  	_ =	swait.ge [sflag:s9], $0x50  }
0x55: {  	[sflag:s9] =	ssyncset.done $0x0  }
0x56: {  	[sflag:s9] =	ssyncadd.s32 $0xFFFFFFB0  }
0x57: {  	_ =	sfence.sel $0x180000  }
0x58: {  	[bflag:$0x0] =	sbarrier.arrive $0xFFFF  }
0x59: {  	p0 =	sne.s32 s0, $0x0;
	_ =	strace $0x90000047  }
0x5a: {  	s0 =	sadd.s32 @!p0 $0x100000, s1;
	[bflag:$0x2] =	sbarrier.arrive $0xFFFF  }
0x5b: {  	[sflag:s0] =	ssyncadd.tile.s32 @!p0 $0x1;
	_ =	shalt  }
.Lfunc_end2:
_tile_overlayer_lowered:
.L_overlay_start_2:
0x5c: {  	(tag) =	ssettag $0x2  }
0x5d: {  	s0 =	rddreg [dreg:$0x0];
	s2 =	stileid.u32  }
0x5e: {  	s1 =	rddreg [dreg:$0x1];
	p0 =	sne.s32 s2, $0x0  }
0x5f: {  	s3 =	rddreg [dreg:$0x2];
	[bflag:$0x3] =	sbarrier.arrive $0xFFFF;
	s2 =	simm.s32 @!p0 $0x1C01  }
0x60: {  	[timem:s3], [sflag:s2] =	dma.local @!p0 [hbm:s0], s1  }
0x61: {  	s0 =	simm.s32 @!p0 $0x1  }
0x62: {  	_ =	swait.ge @!p0 [sflag:s0], s1  }
0x63: {  	s1 =	ssub.s32 @!p0 $0x0, s1;
	[sflag:s0] =	ssyncset.done @!p0 $0x0  }
0x64: {  	[sflag:s0] =	ssyncadd.s32 @!p0 s1  }
0x65: {  	[bflag:$0x3] =	sbarrier.arrive $0xFFFF  }
0x66: {  	_ =	shalt  }

// kernel: kernel.9.cloned.1.call-start
scs
__scs_entry_jumppad:
0x0: {  	(pc) =	sbr.rel $0x88, $3  }
0x1: {  	(tag) =	ssettag $0x0;
	lr =	simm.s32 $0x1  }
0x2: {  	[smem:$0x3F9D] =	sst lr;
	_ =	strace $0xD0000000  }
0x3: {  	_ = 	snop  }
0x4: {  	_ = 	snop  }
0x5: {  	_ = 	snop  }
0x6: {  	_ = 	snop  }
0x7: {  	_ = 	snop  }
__scs_overlays_trampoline_lowered:
0x8: {  	[smem:$0x3FAC] =	sst s0  }
0x9: {  	[smem:$0x3FAD] =	sst s1  }
0xa: {  	[smem:$0x3FAE] =	sst s2  }
0xb: {  	[smem:$0x3FAF] =	sst s3  }
0xc: {  	[smem:$0x3FB0] =	sst s4  }
0xd: {  	[smem:$0x3FB1] =	sst s5  }
0xe: {  	[smem:$0x3FB2] =	sst s6  }
0xf: {  	[smem:$0x3FB3] =	sst s7  }
0x10: {  	[smem:$0x3FB4] =	sst s8  }
0x11: {  	[smem:$0x3FB5] =	sst s9;
	s0 =	simm.s32 @!p0 $0x0  }
0x12: {  	s1 =	sld [smem:$0x3F9B];
	s0 =	simm.s32 @p0 $0x1  }
0x13: {  	[smem:$0x3FB6] =	sst s0;
	s0 =	simm.s32 @!p1 $0x0  }
0x14: {  	s2 =	sld [smem:$0x3F9A];
	s0 =	simm.s32 @p1 $0x1  }
0x15: {  	[smem:$0x3FB7] =	sst s0;
	s0 =	simm.s32 @!p2 $0x0  }
0x16: {  	s3 =	sld [smem:$0x3FDB];
	s0 =	simm.s32 @p2 $0x1  }
0x17: {  	s4 =	simm.s32 $0x1BF5;
	[smem:$0x3FB9] =	sst s0  }
0x18: {  	s0 =	sld [smem:$0x3F9C];
	_ =	swait.ge [sflag:s4], $0x0  }
0x19: {  	s7 =	sld [smem:$0x3F9D]  }
0x1a: {  	s8 =	sadd.s32 $0xFFFFE003, lr  }
0x1b: {  	s9 =	sadd.s32 $0xFFFFFEF7, lr;
	s5 =	simm.s32 $0xFFFFFFFF;
	p2 =	slt.u32 s8, $0xFFFFF086  }
0x1c: {  	p1 =	slt.u32 s9, $0xF7A;
	s5 =	simm.s32 @!p2 $0x0  }
0x1d: {  	s5 =	simm.s32 @p1 $0x1;
	p0 =	seq.s32 s7, s2  }
0x1e: {  	s7 =	smul.u32 @!p0 $0xF7A, s2;
	p2 =	seq.s32 @!p0 s5, $0x0  }
0x1f: {  	s9 =	smul.u32 $0xF7A, s1;
	s8 =	simm.s32 @!p0 $0x1BF5;
	p2 =	por !p2, p0  }
0x20: {  	[sflag:s8] =	ssyncset.s32 @!p0 $0xFFFFF086;
	s6 =	sadd.s32 @!p0 s3, s7;
	s7 =	simm.s32 @!p0 $0x108  }
0x21: {  	s3 =	sadd.s32 s3, s9;
	s6 =	sadd.s32 @!p0 $0x88, s6;
	s7 =	simm.s32 @p2 $0x1082  }
0x22: {  	[simem:s7], [sflag:s8] =	dma.local @!p0 [hbm:s6], $0xF7A  }
0x23: {  	s9 =	sor.u32 $0xD0000000, s2;
	s6 =	simm.s32 $0x108;
	_ =	swait.ge @!p0 [sflag:s8], $0x0  }
0x24: {  	s3 =	sadd.s32 $0x88, s3;
	s6 =	simm.s32 @!p1 $0x1082;
	[sflag:s4] =	ssyncset.s32 $0xFFFFF086  }
0x25: {  	[simem:s6], [sflag:s4] =	dma.local [hbm:s3], $0xF7A  }
0x26: {  	[smem:$0x3F9D] =	sst s1;
	(tag) =	ssettag s2;
	_ =	strace s9  }
0x27: {  	s1 =	sld [smem:$0x3FAD]  }
0x28: {  	s2 =	sld [smem:$0x3FAE]  }
0x29: {  	s4 =	sld [smem:$0x3FB0]  }
0x2a: {  	p0 =	seq.s32 s5, $0x0;
	s5 =	sld [smem:$0x3FB1]  }
0x2b: {  	s6 =	sld [smem:$0x3FB2]  }
0x2c: {  	s7 =	sld [smem:$0x3FB3]  }
0x2d: {  	s3 =	simm.s32 $0x108;
	s8 =	sld [smem:$0x3FB4]  }
0x2e: {  	s3 =	simm.s32 @!p0 $0x1082;
	s9 =	sld [smem:$0x3FB5]  }
0x2f: {  	lr =	sadd.s32 s0, s3;
	s0 =	sld [smem:$0x3FAC]  }
0x30: {  	s3 =	sld [smem:$0x3FAF]  }
0x31: {  	[smem:$0x3FB8] =	sst s10  }
0x32: {  	s10 =	sld [smem:$0x3FB6];
	_ =	sdelay $0x3  }
0x33: {  	p0 =	seq.s32 s10, $0x1;
	s10 =	sld [smem:$0x3FB8];
	_ =	sdelay $0x3  }
0x34: {  	[smem:$0x3FB8] =	sst s10  }
0x35: {  	s10 =	sld [smem:$0x3FB7];
	_ =	sdelay $0x3  }
0x36: {  	p1 =	seq.s32 s10, $0x1;
	s10 =	sld [smem:$0x3FB8];
	_ =	sdelay $0x3  }
0x37: {  	[smem:$0x3FB8] =	sst s10  }
0x38: {  	s10 =	sld [smem:$0x3FB9]  }
0x39: {  	_ = 	snop;
	(pc) =	sbr.ind lr, $3  }
0x3a: {  	_ = 	snop  }
0x3b: {  	_ = 	snop  }
0x3c: {  	p2 =	seq.s32 s10, $0x1;
	s10 =	sld [smem:$0x3FB8]  }
0x3d: {  	_ =	shalt  }
0x3e: {  	_ =	shalt  }
0x3f: {  	_ =	shalt  }
0x40: {  	_ =	shalt  }
0x41: {  	_ =	shalt  }
0x42: {  	_ =	shalt  }
0x43: {  	_ =	shalt  }
0x44: {  	_ =	shalt  }
0x45: {  	_ =	shalt  }
0x46: {  	_ =	shalt  }
0x47: {  	_ =	shalt  }
0x48: {  	_ =	shalt  }
0x49: {  	_ =	shalt  }
0x4a: {  	_ =	shalt  }
0x4b: {  	_ =	shalt  }
0x4c: {  	_ =	shalt  }
0x4d: {  	_ =	shalt  }
0x4e: {  	_ =	shalt  }
0x4f: {  	_ =	shalt  }
0x50: {  	_ =	shalt  }
0x51: {  	_ =	shalt  }
0x52: {  	_ =	shalt  }
0x53: {  	_ =	shalt  }
0x54: {  	_ =	shalt  }
0x55: {  	_ =	shalt  }
0x56: {  	_ =	shalt  }
0x57: {  	_ =	shalt  }
0x58: {  	_ =	shalt  }
0x59: {  	_ =	shalt  }
0x5a: {  	_ =	shalt  }
0x5b: {  	_ =	shalt  }
0x5c: {  	_ =	shalt  }
0x5d: {  	_ =	shalt  }
0x5e: {  	_ =	shalt  }
0x5f: {  	_ =	shalt  }
0x60: {  	_ =	shalt  }
0x61: {  	_ =	shalt  }
0x62: {  	_ =	shalt  }
0x63: {  	_ =	shalt  }
0x64: {  	_ =	shalt  }
0x65: {  	_ =	shalt  }
0x66: {  	_ =	shalt  }
0x67: {  	_ =	shalt  }
0x68: {  	_ =	shalt  }
0x69: {  	_ =	shalt  }
0x6a: {  	_ =	shalt  }
0x6b: {  	_ =	shalt  }
0x6c: {  	_ =	shalt  }
0x6d: {  	_ =	shalt  }
0x6e: {  	_ =	shalt  }
0x6f: {  	_ =	shalt  }
0x70: {  	_ =	shalt  }
0x71: {  	_ =	shalt  }
0x72: {  	_ =	shalt  }
0x73: {  	_ =	shalt  }
0x74: {  	_ =	shalt  }
0x75: {  	_ =	shalt  }
0x76: {  	_ =	shalt  }
0x77: {  	_ =	shalt  }
0x78: {  	_ =	shalt  }
0x79: {  	_ =	shalt  }
0x7a: {  	_ =	shalt  }
0x7b: {  	_ =	shalt  }
0x7c: {  	_ =	shalt  }
0x7d: {  	_ =	shalt  }
0x7e: {  	_ =	shalt  }
0x7f: {  	_ =	shalt  }
0x80: {  	_ =	shalt  }
0x81: {  	_ =	shalt  }
0x82: {  	_ =	shalt  }
0x83: {  	_ =	shalt  }
0x84: {  	_ =	shalt  }
0x85: {  	_ =	shalt  }
0x86: {  	_ =	shalt  }
0x87: {  	_ =	shalt  }
.Lfunc_end0:
.L_simem_size_0:
called_computation.1_lowered:
.L_overlay_start_0:
0x88: {  	s2 =	sld [smem:$0x3FD9]  }
0x89: {  	s3 =	sld [smem:$0x3FFE];
	_ =	sdelay $0x1  }
0x8a: {  	s1 =	srdreg.scid  }
0x8b: {  	s0 =	sand.u32 $0x1, s1  }
0x8c: {  	s17 =	sshll.u32 s0, $0xA;
	s2 =	sadd.s32 s3, s2  }
0x8d: {  	s2 =	sadd.s32 s2, s17  }
0x8e: {  	[smem:$0x3FC4] =	sst s2  }
0x8f: {  	_ = 	snop  }
0x90: {  	s2 =	sld [smem:$0x3FD0];
	(tm) =	ssettm $0x1  }
0x91: {  	s18 =	sld [smem:$0x3FFB];
	_ =	sdelay $0x3  }
0x92: {  	_ =	strace s18  }
0x93: {  	s3 =	sld [smem:$0x3FFC];
	_ =	sdelay $0x3  }
0x94: {  	_ =	strace s3  }
0x95: {  	s3 =	sld [smem:$0x3FFD];
	_ =	sdelay $0x3  }
0x96: {  	_ =	strace s3  }
0x97: {  	_ =	strace $0x8FFFFFFF  }
0x98: {  	s19 =	sld [smem:$0x3FDB];
	_ =	sdelay $0x1  }
0x99: {  	s4 =	simm.s32 $_scs_section_size  }
0x9a: {  	s5 =	simm.s32 $_size__tile_overlayer_lowered;
	s6 =	simm.s32 $_tile_overlayer_lowered  }
0x9b: {  	s22 =	simm.s32 $0x1BFF;
	s21 =	sshll.u32 s6, $0x1;
	s3 =	sadd.s32 s4, s19  }
0x9c: {  	s7 =	simm.s32 $0x0;
	s20 =	sshll.u32 s5, $0x1;
	s5 =	sadd.s32 s21, s3  }
0x9d: {  	[timem:s7], [sflag:s22] =	dma.local [hbm:s5], s20  }
0x9e: {  	_ =	swait.ge [sflag:s22], s20  }
0x9f: {  	s4 =	ssub.s32 $0x0, s20;
	[sflag:s22] =	ssyncset.done $0x0  }
0xa0: {  	[sflag:s22] =	ssyncadd.s32 s4;
	_ =	sdelay $0x1  }
0xa1: {  	s23 =	simm.s32 $0x1B8B  }
0xa2: {  	_ =	swait.ge [sflag:s23], $0x1  }
0xa3: {  	[sflag:s23] =	ssyncset.done $0x0  }
0xa4: {  	s25 =	simm.s32 $0x1B8E;
	s24 =	sld [smem:$0x3FFE];
	[sflag:s23] =	ssyncadd.s32 $0xFFFFFFFF  }
0xa5: {  	s26 =	simm.s32 $execute0_lowered;
	[smem:$0x3FD2] =	sst s25  }
0xa6: {  	s5 =	sshll.u32 s26, $0x1;
	_ =	strace $0x80000049;
	[dreg:$0x1] =	wrdreg $0xFFFFFFFF  }
0xa7: {  	s28 =	simm.s32 $_size_execute0_lowered;
	s3 =	sadd.s32 s3, s5;
	[dreg:$0x0] =	wrdreg $0x0  }
0xa8: {  	s5 =	sshll.u32 s28, $0x1;
	[dreg:$0x2] =	wrdreg s3  }
0xa9: {  	[dreg:$0x3] =	wrdreg s5  }
0xaa: {  	[dreg:$0x4] =	wrdreg $0xC0  }
0xab: {  	_ =	task [dreg:s7], $0x5FFFF  }
0xac: {  	[dreg:$0x1] =	wrdreg $0xFFFFFFFF  }
0xad: {  	[dreg:$0x0] =	wrdreg $0x60  }
0xae: {  	[dreg:$0x2] =	wrdreg s2  }
0xaf: {  	[dreg:$0x3] =	wrdreg s24  }
0xb0: {  	[dreg:$0x4] =	wrdreg $0x90000  }
0xb1: {  	[dreg:$0x5] =	wrdreg $0x9  }
0xb2: {  	_ =	task.clear_ibuf [dreg:s7], $0x6FFFF;
	_ =	strace $0x90000049  }
0xb3: {  	s29 =	simm.s32 $0x9;
	_ =	strace $0x8000004B  }
0xb4: {  	_ =	swait.ge [sflag:s29], $0x1  }
0xb5: {  	[sflag:s29] =	ssyncadd.s32 $0xFFFFFFFF  }
0xb6: {  	_ =	strace $0x9000004B  }
0xb7: {  	_ =	sfence  }
0xb8: {  	s30 =	sld [smem:$0x0];
	_ =	sdelay $0x2  }
0xb9: {  	s31 =	sshll.u32 s1, $0xD;
	s1 =	sshrl.u32 s1, $0x2  }
0xba: {  	s3 =	sand.u32 $0x4000, s31;
	s1 =	sadd.s32 s1, s30  }
0xbb: {  	s0 =	sor.u32 s3, s0;
	s1 =	sshll.u32 s1, $0x11  }
0xbc: {  	s0 =	sor.u32 s1, s0  }
0xbd: {  	s0 =	sadd.s32 $0x8F2B, s0  }
0xbe: {  	[sflag:s0] =	ssyncadd.remote.s32 $0x1  }
0xbf: {  	_ =	sfence.sel $0xFFFF  }
0xc0: {  	[dreg:$0x0] =	wrdreg $0xFFFFFFFF;
	(pc) =	sbr.abs _section_cstart, $3  }
0xc1: {  	[dreg:$0x1] =	wrdreg $0xFFFFFFFF  }
0xc2: {  	_ =	task.clear_ibuf [dreg:s7], $0x2FFFF;
	_ =	strace $0x9FFFFFFF  }
0xc3: {  	(tm) =	ssettm $0x7FFFFFFF  }
tec
execute0_lowered:
.L_overlay_start_1:
0x0: {  	(tag) =	ssettag $0x1  }
0x1: {  	s2 =	rddreg [dreg:$0x0]  }
0x2: {  	s6 =	rddreg [dreg:$0x1]  }
0x3: {  	s0 =	srdreg.scid;
	s3 =	rddreg [dreg:$0x2];
	s4 =	simm.s32 $0x0  }
0x4: {  	s18 =	simm.s32 $0x5000;
	s5 =	sand.u32 $0x1, s0;
	s0 =	stileid.u32  }
0x5: {  	s19 =	simm.s32 $0x1;
	s20 =	simm.s32 $0x2800;
	s8 =	smul.u32 $0x280, s0  }
0x6: {  	s21 =	simm.s32 $0x80;
	s1 =	sshll.u32 s5, $0x4;
	s9 =	smul.u32 $0x2800, s5  }
0x7: {  	s10 =	smul.u32 $0x50000, s0;
	s29 =	ssub.s32 $0x2, s5;
	s1 =	sor.u32 s0, s1  }
0x8: {  	[smem:$0x7FF] =	sst s4;
	s31 =	sshrl.u32 s29, $0x1;
	s7 =	smul.u32 $0x500, s1  }
0x9: {  	s1 =	rddreg [dreg:$0x3];
	_ =	strace $0x8000004A;
	s30 =	sshrl.u32 s10, $0x2  }
0xa: {  	s28 =	sadd.s32 s8, s9;
	s17 =	ssub.s32 s29, s31;
	s5 =	sadd.s32 s30, s3  }
0xb: {  	s17 =	smax.u32 s17, $0x1;
	s11 =	sadd.s32 s7, s6;
	s7 =	sshll.u32 s28, $0x4  }
0xc: {  	s8 =	sadd.s32 $0xC000, s5;
	s9 =	sadd.s32 $0x10000, s5;
	s16 =	sadd.s32 s7, s6  }
0xd: {  	s6 =	sadd.s32 $0x4000, s5;
	s7 =	sadd.s32 $0x8000, s5;
	s10 =	sadd.s32 $0x1C00, s11  }
0xe: {  	s11 =	sadd.s32 $0xBC00, s11;
	s12 =	sadd.s32 $0x3CE00, s16;
	s13 =	sadd.s32 $0x3D600, s16  }
0xf: {  	v0 =	vimm.f32 $0.0e+00;
	s14 =	sadd.s32 $0x3DE00, s16;
	s15 =	sadd.s32 $0x3E600, s16;
	s16 =	sadd.s32 $0x3EE00, s16  }
.LBB2_1:
0x10: {  	s22 =	simm.s32 $0x0;
	s23 =	simm.s32 $0x200  }
.LBB2_2:
0x11: {  	p0 =	sne.s32 s23, $0xFE00;
	[tilespmem:s22+$0x5070] =	vst v0  }
0x12: {  	[tilespmem:s22+$0x5000] =	vst v0  }
0x13: {  	[tilespmem:s22+$0x5010] =	vst v0  }
.Ltmp0:
0x14: {  	[tilespmem:s22+$0x5020] =	vst v0;
	(pc) =	sbr.rel @p0 .LBB2_2-.Ltmp0, $4  }
0x15: {  	[tilespmem:s22+$0x5030] =	vst v0  }
0x16: {  	[tilespmem:s22+$0x5040] =	vst v0  }
0x17: {  	[tilespmem:s22+$0x5050] =	vst v0  }
0x18: {  	[tilespmem:s22+$0x5060] =	vst v0;
	s22 =	sshra.s32 s23, $0x2;
	s23 =	sadd.s32 $0x200, s23  }
0x19: {  	[tilespmem:s22+$0x5070] =	vst v0  }
0x1a: {  	[tilespmem:s22+$0x5000] =	vst v0  }
0x1b: {  	[tilespmem:s22+$0x5010] =	vst v0  }
0x1c: {  	[tilespmem:s22+$0x5020] =	vst v0  }
0x1d: {  	[tilespmem:s22+$0x5030] =	vst v0  }
0x1e: {  	[tilespmem:s22+$0x5040] =	vst v0  }
0x1f: {  	[tilespmem:s22+$0x5050] =	vst v0  }
0x20: {  	[tilespmem:s22+$0x5060] =	vst v0  }
0x21: {  	[spmem:s5] =	stream.linear.scatter [tilespmem:s18], [sflag:$0x1], $0x4000, $0x38;
	[tilespmem:$0x1D000] =	vst v63  }
0x22: {  	_ =	swait.ge [sflag:s19], $0x4000  }
0x23: {  	[sflag:s19] =	ssyncset.done $0x0  }
0x24: {  	[sflag:s19] =	ssyncadd.s32 $0xFFFFC000  }
0x25: {  	[spmem:s6] =	stream.linear.scatter [tilespmem:s18], [sflag:$0x1], $0x4000, $0x38;
	[tilespmem:$0x1D000] =	vst v63  }
0x26: {  	_ =	swait.ge [sflag:s19], $0x4000  }
0x27: {  	[sflag:s19] =	ssyncset.done $0x0  }
0x28: {  	[sflag:s19] =	ssyncadd.s32 $0xFFFFC000  }
0x29: {  	[spmem:s7] =	stream.linear.scatter [tilespmem:s18], [sflag:$0x1], $0x4000, $0x38;
	[tilespmem:$0x1D000] =	vst v63  }
0x2a: {  	_ =	swait.ge [sflag:s19], $0x4000  }
0x2b: {  	[sflag:s19] =	ssyncset.done $0x0  }
0x2c: {  	[sflag:s19] =	ssyncadd.s32 $0xFFFFC000  }
0x2d: {  	[spmem:s8] =	stream.linear.scatter [tilespmem:s18], [sflag:$0x1], $0x4000, $0x38;
	[tilespmem:$0x1D000] =	vst v63  }
0x2e: {  	_ =	swait.ge [sflag:s19], $0x4000  }
0x2f: {  	[sflag:s19] =	ssyncset.done $0x0  }
0x30: {  	[sflag:s19] =	ssyncadd.s32 $0xFFFFC000  }
0x31: {  	[spmem:s9] =	stream.linear.scatter [tilespmem:s18], [sflag:$0x1], $0x4000, $0x38;
	[tilespmem:$0x1D000] =	vst v63  }
0x32: {  	_ =	swait.ge [sflag:s19], $0x4000  }
0x33: {  	[sflag:s19] =	ssyncset.done $0x0  }
0x34: {  	[sflag:s19] =	ssyncadd.s32 $0xFFFFC000  }
0x35: {  	s29 =	simm.s32 $0x0;
	[bflag:$0x0] =	sbarrier.arrive $0xFFFF  }
0x36: {  	[tilespmem:s29], [sflag:$0x1] =	stream.linear.gather [hbm4b:s10+s29], $0x2780, $0x38;
	[tilespmem:$0x1D000] =	vst v63  }
0x37: {  	_ =	swait.ge [sflag:s19], $0x2780  }
0x38: {  	[sflag:s19] =	ssyncset.done $0x0  }
0x39: {  	[sflag:s19] =	ssyncadd.s32 $0xFFFFD880  }
0x3a: {  	[tilespmem:s20], [sflag:$0x1] =	stream.linear.gather [hbm4b:s11+s29], $0x2780, $0x38;
	[tilespmem:$0x1D000] =	vst v63  }
0x3b: {  	_ =	swait.ge [sflag:s19], $0x2780  }
0x3c: {  	[sflag:s19] =	ssyncset.done $0x0  }
0x3d: {  	s30 =	simm.s32 $0x0;
	[sflag:s19] =	ssyncadd.s32 $0xFFFFD880  }
0x3e: {  	[tilespmem:s18], [sflag:$0x1] =	stream.indirect.gather [hbm4b:s2+s21], $0x80, s30, s21, $0xb8;
	[tilespmem:$0x1D000] =	vst v63  }
0x3f: {  	_ =	swait.ge [sflag:s19], $0x4000  }
0x40: {  	[sflag:s19] =	ssyncset.done $0x0  }
0x41: {  	s31 =	simm.s32 $0x2800;
	[sflag:s19] =	ssyncadd.s32 $0xFFFFC000  }
0x42: {  	[spmem:s3] =	stream.indirect.scatter.add.f32 [tilespmem:s18], [sflag:$0x1], $0x80, s31, s21, $0xb8;
	[tilespmem:$0x1D000] =	vst v63  }
0x43: {  	_ =	swait.ge [sflag:s19], $0x4000  }
0x44: {  	s22 =	simm.s32 $0x200;
	s23 =	simm.s32 $0x400;
	[sflag:s19] =	ssyncset.done $0x0  }
.LBB2_4:
0x45: {  	s24 =	sshra.s32 s22, $0x2  }
0x46: {  	[sflag:s19] =	ssyncadd.s32 $0xFFFFC000;
	s22 =	smov.u32 s23;
	s25 =	sadd.s32 $0x200, s23  }
0x47: {  	[tilespmem:s18], [sflag:$0x1] =	stream.indirect.gather [hbm4b:s2+s21], $0x80, s24, s21, $0xb8;
	[tilespmem:$0x1D000] =	vst v63  }
0x48: {  	p0 =	sne.s32 s23, $0x9C00;
	_ =	swait.ge [sflag:s19], $0x4000  }
.Ltmp1:
0x49: {  	[sflag:s19] =	ssyncset.done $0x0;
	(pc) =	sbr.rel @p0 .LBB2_4-.Ltmp1, $4  }
0x4a: {  	s23 =	sadd.s32 $0x2800, s24;
	[sflag:s19] =	ssyncadd.s32 $0xFFFFC000  }
0x4b: {  	[spmem:s3] =	stream.indirect.scatter.add.f32 [tilespmem:s18], [sflag:$0x1], $0x80, s23, s21, $0xb8;
	[tilespmem:$0x1D000] =	vst v63  }
0x4c: {  	_ =	swait.ge [sflag:s19], $0x4000  }
0x4d: {  	s23 =	smov.u32 s25;
	[sflag:s19] =	ssyncset.done $0x0  }
0x4e: {  	s22 =	sshra.s32 s22, $0x2;
	[sflag:s19] =	ssyncadd.s32 $0xFFFFC000  }
0x4f: {  	[tilespmem:s18], [sflag:$0x1] =	stream.indirect.gather [hbm4b:s2+s21], $0x80, s22, s21, $0xb8;
	[tilespmem:$0x1D000] =	vst v63  }
0x50: {  	_ =	swait.ge [sflag:s19], $0x4000  }
0x51: {  	[sflag:s19] =	ssyncset.done $0x0  }
0x52: {  	s22 =	sadd.s32 $0x2800, s22;
	[sflag:s19] =	ssyncadd.s32 $0xFFFFC000  }
0x53: {  	[spmem:s3] =	stream.indirect.scatter.add.f32 [tilespmem:s18], [sflag:$0x1], $0x80, s22, s21, $0xb8;
	[tilespmem:$0x1D000] =	vst v63  }
0x54: {  	_ =	swait.ge [sflag:s19], $0x4000  }
0x55: {  	[sflag:s19] =	ssyncset.done $0x0  }
0x56: {  	s26 =	sshll.u32 s0, $0x6;
	[sflag:s19] =	ssyncadd.s32 $0xFFFFC000  }
0x57: {  	s23 =	sshrl.u32 s5, $0x3;
	s22 =	sor.u32 $0x1C01, s26;
	[bflag:$0x0] =	sbarrier.arrive $0xFFFF  }
0x58: {  	[hbm:s12], [sflag:s22] =	dma.local [spmem:s23], $0x800  }
0x59: {  	_ =	swait.ge [sflag:s19], $0x800  }
0x5a: {  	[sflag:s19] =	ssyncset.done $0x0  }
0x5b: {  	s28 =	sshrl.u32 s6, $0x3;
	[sflag:s19] =	ssyncadd.s32 $0xFFFFF800  }
0x5c: {  	[hbm:s13], [sflag:s22] =	dma.local [spmem:s28], $0x800  }
0x5d: {  	_ =	swait.ge [sflag:s19], $0x800  }
0x5e: {  	[sflag:s19] =	ssyncset.done $0x0  }
0x5f: {  	s29 =	sshrl.u32 s7, $0x3;
	[sflag:s19] =	ssyncadd.s32 $0xFFFFF800  }
0x60: {  	[hbm:s14], [sflag:s22] =	dma.local [spmem:s29], $0x800  }
0x61: {  	_ =	swait.ge [sflag:s19], $0x800  }
0x62: {  	[sflag:s19] =	ssyncset.done $0x0  }
0x63: {  	s30 =	sshrl.u32 s8, $0x3;
	[sflag:s19] =	ssyncadd.s32 $0xFFFFF800  }
0x64: {  	[hbm:s15], [sflag:s22] =	dma.local [spmem:s30], $0x800  }
0x65: {  	s4 =	sadd.s32 $0x1, s4;
	_ =	swait.ge [sflag:s19], $0x800  }
0x66: {  	p0 =	sne.s32 s4, s17;
	[sflag:s19] =	ssyncset.done $0x0  }
.Ltmp2:
0x67: {  	s31 =	sshrl.u32 s9, $0x3;
	[sflag:s19] =	ssyncadd.s32 $0xFFFFF800;
	(pc) =	sbr.rel @p0 .LBB2_1-.Ltmp2, $4  }
0x68: {  	[hbm:s16], [sflag:s22] =	dma.local [spmem:s31], $0x800  }
0x69: {  	_ =	swait.ge [sflag:s19], $0x800  }
0x6a: {  	[sflag:s19] =	ssyncset.done $0x0  }
0x6b: {  	[sflag:s19] =	ssyncadd.s32 $0xFFFFF800  }
0x6c: {  	_ =	sfence.sel $0x180000  }
0x6d: {  	[bflag:$0x0] =	sbarrier.arrive $0xFFFF  }
0x6e: {  	p0 =	sne.s32 s0, $0x0;
	_ =	strace $0x9000004A  }
0x6f: {  	s0 =	sadd.s32 @!p0 $0x100000, s1;
	[bflag:$0x2] =	sbarrier.arrive $0xFFFF  }
0x70: {  	[sflag:s0] =	ssyncadd.tile.s32 @!p0 $0x1;
	_ =	shalt  }
.Lfunc_end2:
_tile_overlayer_lowered:
.L_overlay_start_2:
0x71: {  	(tag) =	ssettag $0x2  }
0x72: {  	s0 =	rddreg [dreg:$0x0];
	s2 =	stileid.u32  }
0x73: {  	s1 =	rddreg [dreg:$0x1];
	p0 =	sne.s32 s2, $0x0  }
0x74: {  	s3 =	rddreg [dreg:$0x2];
	[bflag:$0x3] =	sbarrier.arrive $0xFFFF;
	s2 =	simm.s32 @!p0 $0x1C01  }
0x75: {  	[timem:s3], [sflag:s2] =	dma.local @!p0 [hbm:s0], s1  }
0x76: {  	s0 =	simm.s32 @!p0 $0x1  }
0x77: {  	_ =	swait.ge @!p0 [sflag:s0], s1  }
0x78: {  	s1 =	ssub.s32 @!p0 $0x0, s1;
	[sflag:s0] =	ssyncset.done @!p0 $0x0  }
0x79: {  	[sflag:s0] =	ssyncadd.s32 @!p0 s1  }
0x7a: {  	[bflag:$0x3] =	sbarrier.arrive $0xFFFF  }
0x7b: {  	_ =	shalt  }

</sc_bundles>
